<compile_context>
chip_gen: v7x
topology: tpu7x:2x2x1
jax: 0.10.2.dev20260603
libtpu: 0.0.44.dev20260713+nightly
codegen_flags: <defaults>
</compile_context>

<pallas_src>
import functools

import jax
import jax.numpy as jnp
from jax import lax
from jax.experimental import pallas as pl
from jax.experimental.pallas import tpu as pltpu
from jax.experimental.pallas import tpu_sc as plsc

B, N, C = 8, 8192, 3
NUM_GROUP = 512
GROUP_SIZE = 32
GB = 128
NGB = NUM_GROUP // GB
NW = 32
TOTAL_ROWS = B * NUM_GROUP * GROUP_SIZE


def _topk_kernel(idx_ref, xyzt_ref, knn_ref, cent_ref):
    f32 = jnp.float32
    idx_row = idx_ref[0, 0, :]
    xyzt = xyzt_ref[0]

    iota_n = lax.broadcasted_iota(jnp.int32, (GB, N), 1)
    iota_f = iota_n.astype(jnp.float32)
    xr = xyzt[0:1, :]
    yr = xyzt[1:2, :]
    zr = xyzt[2:3, :]

    onehot_c = idx_row[:, None] == iota_n
    zero = jnp.float32(0.0)
    cx = jnp.sum(jnp.where(onehot_c, xr, zero), axis=1, keepdims=True)
    cy = jnp.sum(jnp.where(onehot_c, yr, zero), axis=1, keepdims=True)
    cz = jnp.sum(jnp.where(onehot_c, zr, zero), axis=1, keepdims=True)
    centers = jnp.concatenate([cx, cy, cz], axis=1)

    xn2 = xr * xr + yr * yr + zr * zr
    cn2 = cx * cx + cy * cy + cz * cz
    e = jnp.dot(centers, xyzt, preferred_element_type=f32)
    dist = (-2.0 * e + cn2) + xn2

    js = []
    bigf = jnp.float32(1e9)
    inf = jnp.float32(jnp.inf)
    for _ in range(GROUP_SIZE):
        m = jnp.min(dist, axis=1, keepdims=True)
        am = jnp.where(dist == m, iota_f, bigf)
        j = jnp.min(am, axis=1, keepdims=True)
        ji = j.astype(jnp.int32)
        dist = jnp.where(iota_n == ji, inf, dist)
        js.append(ji)
    knn_ref[0] = jnp.concatenate(js, axis=1)
    cent_ref[0] = centers


CPW = NUM_GROUP // NGB
IDX_PER_W = CPW * GROUP_SIZE
OUT_PER_W = IDX_PER_W * C
XYZ_PER_B = N * C


def _make_gather():
    mesh = plsc.VectorSubcoreMesh(core_axis_name="c", subcore_axis_name="s")

    @functools.partial(
        pl.kernel, mesh=mesh,
        compiler_params=pltpu.CompilerParams(needs_layout_passes=False),
        out_type=jax.ShapeDtypeStruct((TOTAL_ROWS * C,), jnp.float32),
        scratch_types=[
            pltpu.VMEM((IDX_PER_W,), jnp.int32),
            pltpu.VMEM((XYZ_PER_B,), jnp.float32),
            pltpu.VMEM((CPW * C,), jnp.float32),
            pltpu.VMEM((OUT_PER_W,), jnp.float32),
        ],
    )
    def _gather(xyz_hbm, knn_hbm, cent_hbm, out_hbm, idx_v, xyz_v, cent_v, out_v):
        wid = lax.axis_index("s") * 2 + lax.axis_index("c")
        b = wid // NGB
        pltpu.sync_copy(knn_hbm.at[pl.ds(wid * IDX_PER_W, IDX_PER_W)], idx_v)
        pltpu.sync_copy(xyz_hbm.at[pl.ds(b * XYZ_PER_B, XYZ_PER_B)], xyz_v)
        pltpu.sync_copy(cent_hbm.at[pl.ds(wid * CPW * C, CPW * C)], cent_v)

        iota16 = lax.broadcasted_iota(jnp.int32, (16,), 0)
        three = jnp.int32(3)
        rowpats = [lax.div(iota16 + 16 * u, three) for u in range(6)]
        coordpats = [lax.rem(iota16 + 16 * u, three) for u in range(6)]

        def body(c, _):
            cbase32 = jnp.broadcast_to(c * GROUP_SIZE, (16,))
            cbase3 = jnp.broadcast_to(c * C, (16,))
            obase = c * (GROUP_SIZE * C)
            for u in range(6):
                rowsel = plsc.load_gather(idx_v, [cbase32 + rowpats[u]])
                el = rowsel * three + coordpats[u]
                val = plsc.load_gather(xyz_v, [el])
                cvec = plsc.load_gather(cent_v, [cbase3 + coordpats[u]])
                out_v[pl.ds(obase + 16 * u, 16)] = val - cvec
            return _

        lax.fori_loop(0, CPW, body, None)
        pltpu.sync_copy(out_v, out_hbm.at[pl.ds(wid * OUT_PER_W, OUT_PER_W)])

    return _gather


_gather_rows = _make_gather()


def kernel(xyz, center_idx):
    xyzt = jnp.transpose(xyz, (0, 2, 1))
    idx3 = center_idx.reshape(B * NGB, 1, GB)

    knn, cent = pl.pallas_call(
        _topk_kernel,
        grid=(B, NGB),
        in_specs=[
            pl.BlockSpec((1, 1, GB), lambda b, g: (b * NGB + g, 0, 0)),
            pl.BlockSpec((1, 3, N), lambda b, g: (b, 0, 0)),
        ],
        out_specs=[
            pl.BlockSpec((1, GB, GROUP_SIZE), lambda b, g: (b * NGB + g, 0, 0)),
            pl.BlockSpec((1, GB, 3), lambda b, g: (b * NGB + g, 0, 0)),
        ],
        out_shape=[
            jax.ShapeDtypeStruct((B * NGB, GB, GROUP_SIZE), jnp.int32),
            jax.ShapeDtypeStruct((B * NGB, GB, 3), jnp.float32),
        ],
    )(idx3, xyzt)

    neigh = _gather_rows(
        xyz.reshape(B * N * C),
        knn.reshape(TOTAL_ROWS),
        cent.reshape(B * NUM_GROUP * C),
    )

    neighborhood = neigh.reshape(B, NUM_GROUP, GROUP_SIZE, C)
    centers = cent.reshape(B, NUM_GROUP, C)
    return (neighborhood, centers)

# --- scband reference (transcript-rebuilt; emitter-appended) ---
"""Pipeline reference for scband-group-3006477107875 (READ-ONLY COPY).

The authoritative reference and input builder live on the scoring server;
editing this copy changes nothing except your own understanding.
"""

import jax, jax.numpy as jnp
import numpy as np

B, N, C = 8, 8192, 3
NUM_GROUP = 512
GROUP_SIZE = 32


def setup_inputs(seed: int = 0) -> dict:
    key = jax.random.key(seed)
    k1, k2 = jax.random.split(key)
    xyz = jax.random.normal(k1, (B, N, C), dtype=jnp.float32)
    # The torch module's furthest_point_sample is undefined, so the except
    # branch runs: centers are a random permutation of point indices, shared
    # across the batch. We materialize it deterministically here.
    perm = jax.random.permutation(k2, N)
    center_idx = jnp.broadcast_to(perm[:NUM_GROUP][None, :], (B, NUM_GROUP)).astype(jnp.int32)
    return {"xyz": xyz, "center_idx": center_idx}


def reference(xyz, center_idx):
    Bb, Nn, _ = xyz.shape
    G = center_idx.shape[1]
    M = GROUP_SIZE
    # index_points(xyz, center_idx) -> centers [B, G, 3]
    centers = jnp.take_along_axis(xyz, center_idx[..., None].astype(jnp.int32), axis=1)
    # square_distance(centers, xyz): [B, G, N]
    dist = -2.0 * jnp.einsum('bgc,bnc->bgn', centers, xyz)
    dist = dist + jnp.sum(centers ** 2, axis=-1)[..., None]
    dist = dist + jnp.sum(xyz ** 2, axis=-1)[:, None, :]
    # knn: top-k smallest distances
    _, knn_idx = jax.lax.top_k(-dist, M)  # [B, G, M]
    # index_points(xyz, knn_idx) -> neighborhood [B, G, M, 3]
    batch_ids = jnp.arange(Bb)[:, None, None]
    neighborhood = xyz[batch_ids, knn_idx, :]
    neighborhood = neighborhood - centers[:, :, None, :]
    return (neighborhood, centers)

if __name__ == "__main__":
    import jax
    _d = setup_inputs()
    print(jax.jit(kernel)(*tuple(_d.values())))

</pallas_src>

<mosaic_0001>
#map = affine_map<(d0, d1) -> (0)>
module attributes {stable_mosaic.version = 14 : i64} {
  func.func @_gather(%arg0: i32, %arg1: i32, %arg2: memref<196608xf32, #tpu.memory_space<hbm>>, %arg3: memref<131072xi32, #tpu.memory_space<hbm>>, %arg4: memref<12288xf32, #tpu.memory_space<hbm>>, %arg5: memref<393216xf32, #tpu.memory_space<hbm>>, %arg6: memref<4096xi32, #tpu.memory_space<vmem>>, %arg7: memref<24576xf32, #tpu.memory_space<vmem>>, %arg8: memref<384xf32, #tpu.memory_space<vmem>>, %arg9: memref<12288xf32, #tpu.memory_space<vmem>>) attributes {dimension_semantics = [#tpu.dimension_semantics<core_parallel>, #tpu.dimension_semantics<subcore_parallel>], iteration_bounds = array<i64: 2, 16>, scalar_prefetch = 0 : i64, scratch_operands = 4 : i64, tpu.core_type = #tpu.core_type<sc_vector_subcore>, window_params = [{transform_indices = #map}, {transform_indices = #map}, {transform_indices = #map}, {transform_indices = #map}]} {
    %mul3A = arith.constant 2 : i32
    %mul3A_0 = arith.muli %arg1, %mul3A : i32
    %add3A = arith.addi %mul3A_0, %arg0 : i32
    %jit3A = arith.constant 4 : i32
    %div3A = arith.divsi %add3A, %jit3A : i32
    %sign3A = arith.constant 0 : i32
    %sign3A_1 = arith.cmpi sgt, %add3A, %sign3A : i32
    %sign3A_2 = arith.extui %sign3A_1 : i1 to i32
    %sign3A_3 = arith.constant 0 : i32
    %sign3A_4 = arith.cmpi slt, %add3A, %sign3A_3 : i32
    %sign3A_5 = arith.extui %sign3A_4 : i1 to i32
    %sign3A_6 = arith.subi %sign3A_2, %sign3A_5 : i32
    %sign3A_7 = arith.constant 0 : i32
    %sign3A_8 = arith.cmpi sgt, %jit3A, %sign3A_7 : i32
    %sign3A_9 = arith.extui %sign3A_8 : i1 to i32
    %sign3A_10 = arith.constant 0 : i32
    %sign3A_11 = arith.cmpi slt, %jit3A, %sign3A_10 : i32
    %sign3A_12 = arith.extui %sign3A_11 : i1 to i32
    %sign3A_13 = arith.subi %sign3A_9, %sign3A_12 : i32
    %ne3A = arith.cmpi ne, %sign3A_6, %sign3A_13 : i32
    %rem3A = arith.remsi %add3A, %jit3A : i32
    %ne3A_14 = arith.constant 0 : i32
    %ne3A_15 = arith.cmpi ne, %rem3A, %ne3A_14 : i32
    %and3A = arith.andi %ne3A, %ne3A_15 : i1
    %sub3A = arith.constant 1 : i32
    %sub3A_16 = arith.subi %div3A, %sub3A : i32
    %select_n3A = arith.select %and3A, %sub3A_16, %div3A : i32
    %mul3A_17 = arith.constant 4096 : i32
    %mul3A_18 = arith.muli %add3A, %mul3A_17 : i32
    "tpu.region"() ({
      %run_scoped3A = tpu.sem_alloc : memref<!tpu.dma_semaphore, #tpu.memory_space<semaphore_mem>>
      %dma_start3A = tpu.memref_slice %arg3[%mul3A_18] : memref<131072xi32, #tpu.memory_space<hbm>> -> memref<4096xi32, #tpu.memory_space<hbm>>
      %dma_start3A_104 = tpu.memref_slice %arg3[%mul3A_18] : memref<131072xi32, #tpu.memory_space<hbm>> -> memref<4096xi32, #tpu.memory_space<hbm>>
      tpu.enqueue_dma source(%dma_start3A_104 : memref<4096xi32, #tpu.memory_space<hbm>>) target(%arg6 : memref<4096xi32, #tpu.memory_space<vmem>>) target_semaphore(%run_scoped3A : memref<!tpu.dma_semaphore, #tpu.memory_space<semaphore_mem>>)
      %dma_wait3A = tpu.memref_slice %arg3[%mul3A_18] : memref<131072xi32, #tpu.memory_space<hbm>> -> memref<4096xi32, #tpu.memory_space<hbm>>
      %dma_wait3A_105 = tpu.memref_slice %arg3[%mul3A_18] : memref<131072xi32, #tpu.memory_space<hbm>> -> memref<4096xi32, #tpu.memory_space<hbm>>
      tpu.wait_dma2 semaphore(%run_scoped3A : memref<!tpu.dma_semaphore, #tpu.memory_space<semaphore_mem>>) src(%dma_wait3A_105 : memref<4096xi32, #tpu.memory_space<hbm>>) dst(%arg6 : memref<4096xi32, #tpu.memory_space<vmem>>)
      tpu.yield
    }) : () -> ()
    %mul3A_19 = arith.constant 24576 : i32
    %mul3A_20 = arith.muli %select_n3A, %mul3A_19 : i32
    "tpu.region"() ({
      %run_scoped3A = tpu.sem_alloc : memref<!tpu.dma_semaphore, #tpu.memory_space<semaphore_mem>>
      %dma_start3A = tpu.memref_slice %arg2[%mul3A_20] : memref<196608xf32, #tpu.memory_space<hbm>> -> memref<24576xf32, #tpu.memory_space<hbm>>
      %dma_start3A_104 = tpu.memref_slice %arg2[%mul3A_20] : memref<196608xf32, #tpu.memory_space<hbm>> -> memref<24576xf32, #tpu.memory_space<hbm>>
      tpu.enqueue_dma source(%dma_start3A_104 : memref<24576xf32, #tpu.memory_space<hbm>>) target(%arg7 : memref<24576xf32, #tpu.memory_space<vmem>>) target_semaphore(%run_scoped3A : memref<!tpu.dma_semaphore, #tpu.memory_space<semaphore_mem>>)
      %dma_wait3A = tpu.memref_slice %arg2[%mul3A_20] : memref<196608xf32, #tpu.memory_space<hbm>> -> memref<24576xf32, #tpu.memory_space<hbm>>
      %dma_wait3A_105 = tpu.memref_slice %arg2[%mul3A_20] : memref<196608xf32, #tpu.memory_space<hbm>> -> memref<24576xf32, #tpu.memory_space<hbm>>
      tpu.wait_dma2 semaphore(%run_scoped3A : memref<!tpu.dma_semaphore, #tpu.memory_space<semaphore_mem>>) src(%dma_wait3A_105 : memref<24576xf32, #tpu.memory_space<hbm>>) dst(%arg7 : memref<24576xf32, #tpu.memory_space<vmem>>)
      tpu.yield
    }) : () -> ()
    %mul3A_21 = arith.constant 128 : i32
    %mul3A_22 = arith.muli %add3A, %mul3A_21 : i32
    %mul3A_23 = arith.constant 3 : i32
    %mul3A_24 = arith.muli %mul3A_22, %mul3A_23 : i32
    "tpu.region"() ({
      %run_scoped3A = tpu.sem_alloc : memref<!tpu.dma_semaphore, #tpu.memory_space<semaphore_mem>>
      %dma_start3A = tpu.memref_slice %arg4[%mul3A_24] : memref<12288xf32, #tpu.memory_space<hbm>> -> memref<384xf32, #tpu.memory_space<hbm>>
      %dma_start3A_104 = tpu.memref_slice %arg4[%mul3A_24] : memref<12288xf32, #tpu.memory_space<hbm>> -> memref<384xf32, #tpu.memory_space<hbm>>
      tpu.enqueue_dma source(%dma_start3A_104 : memref<384xf32, #tpu.memory_space<hbm>>) target(%arg8 : memref<384xf32, #tpu.memory_space<vmem>>) target_semaphore(%run_scoped3A : memref<!tpu.dma_semaphore, #tpu.memory_space<semaphore_mem>>)
      %dma_wait3A = tpu.memref_slice %arg4[%mul3A_24] : memref<12288xf32, #tpu.memory_space<hbm>> -> memref<384xf32, #tpu.memory_space<hbm>>
      %dma_wait3A_105 = tpu.memref_slice %arg4[%mul3A_24] : memref<12288xf32, #tpu.memory_space<hbm>> -> memref<384xf32, #tpu.memory_space<hbm>>
      tpu.wait_dma2 semaphore(%run_scoped3A : memref<!tpu.dma_semaphore, #tpu.memory_space<semaphore_mem>>) src(%dma_wait3A_105 : memref<384xf32, #tpu.memory_space<hbm>>) dst(%arg8 : memref<384xf32, #tpu.memory_space<vmem>>)
      tpu.yield
    }) : () -> ()
    %iota3A = tpu.iota {dimensions = array<i32: 0>} : vector<16xi32>
    %add3A_25 = arith.constant 0 : i32
    %add3A_26 = vector.broadcast %add3A_25 : i32 to vector<16xi32>
    %add3A_27 = arith.addi %iota3A, %add3A_26 : vector<16xi32>
    %div3A_28 = arith.constant 3 : i32
    %div3A_29 = vector.broadcast %div3A_28 : i32 to vector<16xi32>
    %div3A_30 = arith.divsi %add3A_27, %div3A_29 : vector<16xi32>
    %add3A_31 = arith.constant 16 : i32
    %add3A_32 = vector.broadcast %add3A_31 : i32 to vector<16xi32>
    %add3A_33 = arith.addi %iota3A, %add3A_32 : vector<16xi32>
    %div3A_34 = arith.constant 3 : i32
    %div3A_35 = vector.broadcast %div3A_34 : i32 to vector<16xi32>
    %div3A_36 = arith.divsi %add3A_33, %div3A_35 : vector<16xi32>
    %add3A_37 = arith.constant 32 : i32
    %add3A_38 = vector.broadcast %add3A_37 : i32 to vector<16xi32>
    %add3A_39 = arith.addi %iota3A, %add3A_38 : vector<16xi32>
    %div3A_40 = arith.constant 3 : i32
    %div3A_41 = vector.broadcast %div3A_40 : i32 to vector<16xi32>
    %div3A_42 = arith.divsi %add3A_39, %div3A_41 : vector<16xi32>
    %add3A_43 = arith.constant 48 : i32
    %add3A_44 = vector.broadcast %add3A_43 : i32 to vector<16xi32>
    %add3A_45 = arith.addi %iota3A, %add3A_44 : vector<16xi32>
    %div3A_46 = arith.constant 3 : i32
    %div3A_47 = vector.broadcast %div3A_46 : i32 to vector<16xi32>
    %div3A_48 = arith.divsi %add3A_45, %div3A_47 : vector<16xi32>
    %add3A_49 = arith.constant 64 : i32
    %add3A_50 = vector.broadcast %add3A_49 : i32 to vector<16xi32>
    %add3A_51 = arith.addi %iota3A, %add3A_50 : vector<16xi32>
    %div3A_52 = arith.constant 3 : i32
    %div3A_53 = vector.broadcast %div3A_52 : i32 to vector<16xi32>
    %div3A_54 = arith.divsi %add3A_51, %div3A_53 : vector<16xi32>
    %add3A_55 = arith.constant 80 : i32
    %add3A_56 = vector.broadcast %add3A_55 : i32 to vector<16xi32>
    %add3A_57 = arith.addi %iota3A, %add3A_56 : vector<16xi32>
    %div3A_58 = arith.constant 3 : i32
    %div3A_59 = vector.broadcast %div3A_58 : i32 to vector<16xi32>
    %div3A_60 = arith.divsi %add3A_57, %div3A_59 : vector<16xi32>
    %add3A_61 = arith.constant 0 : i32
    %add3A_62 = vector.broadcast %add3A_61 : i32 to vector<16xi32>
    %add3A_63 = arith.addi %iota3A, %add3A_62 : vector<16xi32>
    %rem3A_64 = arith.constant 3 : i32
    %rem3A_65 = vector.broadcast %rem3A_64 : i32 to vector<16xi32>
    %rem3A_66 = arith.remsi %add3A_63, %rem3A_65 : vector<16xi32>
    %add3A_67 = arith.constant 16 : i32
    %add3A_68 = vector.broadcast %add3A_67 : i32 to vector<16xi32>
    %add3A_69 = arith.addi %iota3A, %add3A_68 : vector<16xi32>
    %rem3A_70 = arith.constant 3 : i32
    %rem3A_71 = vector.broadcast %rem3A_70 : i32 to vector<16xi32>
    %rem3A_72 = arith.remsi %add3A_69, %rem3A_71 : vector<16xi32>
    %add3A_73 = arith.constant 32 : i32
    %add3A_74 = vector.broadcast %add3A_73 : i32 to vector<16xi32>
    %add3A_75 = arith.addi %iota3A, %add3A_74 : vector<16xi32>
    %rem3A_76 = arith.constant 3 : i32
    %rem3A_77 = vector.broadcast %rem3A_76 : i32 to vector<16xi32>
    %rem3A_78 = arith.remsi %add3A_75, %rem3A_77 : vector<16xi32>
    %add3A_79 = arith.constant 48 : i32
    %add3A_80 = vector.broadcast %add3A_79 : i32 to vector<16xi32>
    %add3A_81 = arith.addi %iota3A, %add3A_80 : vector<16xi32>
    %rem3A_82 = arith.constant 3 : i32
    %rem3A_83 = vector.broadcast %rem3A_82 : i32 to vector<16xi32>
    %rem3A_84 = arith.remsi %add3A_81, %rem3A_83 : vector<16xi32>
    %add3A_85 = arith.constant 64 : i32
    %add3A_86 = vector.broadcast %add3A_85 : i32 to vector<16xi32>
    %add3A_87 = arith.addi %iota3A, %add3A_86 : vector<16xi32>
    %rem3A_88 = arith.constant 3 : i32
    %rem3A_89 = vector.broadcast %rem3A_88 : i32 to vector<16xi32>
    %rem3A_90 = arith.remsi %add3A_87, %rem3A_89 : vector<16xi32>
    %add3A_91 = arith.constant 80 : i32
    %add3A_92 = vector.broadcast %add3A_91 : i32 to vector<16xi32>
    %add3A_93 = arith.addi %iota3A, %add3A_92 : vector<16xi32>
    %rem3A_94 = arith.constant 3 : i32
    %rem3A_95 = vector.broadcast %rem3A_94 : i32 to vector<16xi32>
    %rem3A_96 = arith.remsi %add3A_93, %rem3A_95 : vector<16xi32>
    %scan3A = arith.constant 3 : i32
    %scan3A_97 = arith.constant 0 : i32
    %scan3A_98 = arith.constant 128 : i32
    %scan3A_99 = arith.addi %scan3A_97, %scan3A_98 : i32
    %scan3A_100 = arith.constant 1 : i32
    scf.for %scan3A_104 = %scan3A_97 to %scan3A_99 step %scan3A_100  : i32 {
      %mul3A_105 = arith.constant 32 : i32
      %mul3A_106 = arith.muli %scan3A_104, %mul3A_105 : i32
      %broadcast_in_dim3A = vector.broadcast %mul3A_106 : i32 to vector<16xi32>
      %mul3A_107 = arith.constant 3 : i32
      %mul3A_108 = arith.muli %scan3A_104, %mul3A_107 : i32
      %broadcast_in_dim3A_109 = vector.broadcast %mul3A_108 : i32 to vector<16xi32>
      %mul3A_110 = arith.constant 96 : i32
      %mul3A_111 = arith.muli %scan3A_104, %mul3A_110 : i32
      %add3A_112 = arith.addi %broadcast_in_dim3A, %div3A_30 : vector<16xi32>
      %gather3A = tpu.vector_load_idx %arg6[%add3A_112] : memref<4096xi32, #tpu.memory_space<vmem>>[vector<16xi32>], vector<16xi32>,
      %mul3A_113 = vector.broadcast %scan3A : i32 to vector<16xi32>
      %mul3A_114 = arith.muli %gather3A, %mul3A_113 : vector<16xi32>
      %add3A_115 = arith.addi %mul3A_114, %rem3A_66 : vector<16xi32>
      %gather3A_116 = tpu.vector_load_idx %arg7[%add3A_115] : memref<24576xf32, #tpu.memory_space<vmem>>[vector<16xi32>], vector<16xf32>,
      %add3A_117 = arith.addi %broadcast_in_dim3A_109, %rem3A_66 : vector<16xi32>
      %gather3A_118 = tpu.vector_load_idx %arg8[%add3A_117] : memref<384xf32, #tpu.memory_space<vmem>>[vector<16xi32>], vector<16xf32>,
      %sub3A_119 = arith.subf %gather3A_116, %gather3A_118 : vector<16xf32>
      %add3A_120 = arith.constant 0 : i32
      %add3A_121 = arith.addi %mul3A_111, %add3A_120 : i32
      %swap3A = arith.index_cast %add3A_121 : i32 to index
      %swap3A_122 = tpu.vector_load %arg9[%swap3A] {strides = array<i32>} : memref<12288xf32, #tpu.memory_space<vmem>>, vector<16xf32>,
      tpu.vector_store %arg9[%swap3A], %sub3A_119 {strides = array<i32>} : memref<12288xf32, #tpu.memory_space<vmem>>, vector<16xf32>,
      %add3A_123 = arith.addi %broadcast_in_dim3A, %div3A_36 : vector<16xi32>
      %gather3A_124 = tpu.vector_load_idx %arg6[%add3A_123] : memref<4096xi32, #tpu.memory_space<vmem>>[vector<16xi32>], vector<16xi32>,
      %mul3A_125 = vector.broadcast %scan3A : i32 to vector<16xi32>
      %mul3A_126 = arith.muli %gather3A_124, %mul3A_125 : vector<16xi32>
      %add3A_127 = arith.addi %mul3A_126, %rem3A_72 : vector<16xi32>
      %gather3A_128 = tpu.vector_load_idx %arg7[%add3A_127] : memref<24576xf32, #tpu.memory_space<vmem>>[vector<16xi32>], vector<16xf32>,
      %add3A_129 = arith.addi %broadcast_in_dim3A_109, %rem3A_72 : vector<16xi32>
      %gather3A_130 = tpu.vector_load_idx %arg8[%add3A_129] : memref<384xf32, #tpu.memory_space<vmem>>[vector<16xi32>], vector<16xf32>,
      %sub3A_131 = arith.subf %gather3A_128, %gather3A_130 : vector<16xf32>
      %add3A_132 = arith.constant 16 : i32
      %add3A_133 = arith.addi %mul3A_111, %add3A_132 : i32
      %swap3A_134 = arith.index_cast %add3A_133 : i32 to index
      %swap3A_135 = tpu.vector_load %arg9[%swap3A_134] {strides = array<i32>} : memref<12288xf32, #tpu.memory_space<vmem>>, vector<16xf32>,
      tpu.vector_store %arg9[%swap3A_134], %sub3A_131 {strides = array<i32>} : memref<12288xf32, #tpu.memory_space<vmem>>, vector<16xf32>,
      %add3A_136 = arith.addi %broadcast_in_dim3A, %div3A_42 : vector<16xi32>
      %gather3A_137 = tpu.vector_load_idx %arg6[%add3A_136] : memref<4096xi32, #tpu.memory_space<vmem>>[vector<16xi32>], vector<16xi32>,
      %mul3A_138 = vector.broadcast %scan3A : i32 to vector<16xi32>
      %mul3A_139 = arith.muli %gather3A_137, %mul3A_138 : vector<16xi32>
      %add3A_140 = arith.addi %mul3A_139, %rem3A_78 : vector<16xi32>
      %gather3A_141 = tpu.vector_load_idx %arg7[%add3A_140] : memref<24576xf32, #tpu.memory_space<vmem>>[vector<16xi32>], vector<16xf32>,
      %add3A_142 = arith.addi %broadcast_in_dim3A_109, %rem3A_78 : vector<16xi32>
      %gather3A_143 = tpu.vector_load_idx %arg8[%add3A_142] : memref<384xf32, #tpu.memory_space<vmem>>[vector<16xi32>], vector<16xf32>,
      %sub3A_144 = arith.subf %gather3A_141, %gather3A_143 : vector<16xf32>
      %add3A_145 = arith.constant 32 : i32
      %add3A_146 = arith.addi %mul3A_111, %add3A_145 : i32
      %swap3A_147 = arith.index_cast %add3A_146 : i32 to index
      %swap3A_148 = tpu.vector_load %arg9[%swap3A_147] {strides = array<i32>} : memref<12288xf32, #tpu.memory_space<vmem>>, vector<16xf32>,
      tpu.vector_store %arg9[%swap3A_147], %sub3A_144 {strides = array<i32>} : memref<12288xf32, #tpu.memory_space<vmem>>, vector<16xf32>,
      %add3A_149 = arith.addi %broadcast_in_dim3A, %div3A_48 : vector<16xi32>
      %gather3A_150 = tpu.vector_load_idx %arg6[%add3A_149] : memref<4096xi32, #tpu.memory_space<vmem>>[vector<16xi32>], vector<16xi32>,
      %mul3A_151 = vector.broadcast %scan3A : i32 to vector<16xi32>
      %mul3A_152 = arith.muli %gather3A_150, %mul3A_151 : vector<16xi32>
      %add3A_153 = arith.addi %mul3A_152, %rem3A_84 : vector<16xi32>
      %gather3A_154 = tpu.vector_load_idx %arg7[%add3A_153] : memref<24576xf32, #tpu.memory_space<vmem>>[vector<16xi32>], vector<16xf32>,
      %add3A_155 = arith.addi %broadcast_in_dim3A_109, %rem3A_84 : vector<16xi32>
      %gather3A_156 = tpu.vector_load_idx %arg8[%add3A_155] : memref<384xf32, #tpu.memory_space<vmem>>[vector<16xi32>], vector<16xf32>,
      %sub3A_157 = arith.subf %gather3A_154, %gather3A_156 : vector<16xf32>
      %add3A_158 = arith.constant 48 : i32
      %add3A_159 = arith.addi %mul3A_111, %add3A_158 : i32
      %swap3A_160 = arith.index_cast %add3A_159 : i32 to index
      %swap3A_161 = tpu.vector_load %arg9[%swap3A_160] {strides = array<i32>} : memref<12288xf32, #tpu.memory_space<vmem>>, vector<16xf32>,
      tpu.vector_store %arg9[%swap3A_160], %sub3A_157 {strides = array<i32>} : memref<12288xf32, #tpu.memory_space<vmem>>, vector<16xf32>,
      %add3A_162 = arith.addi %broadcast_in_dim3A, %div3A_54 : vector<16xi32>
      %gather3A_163 = tpu.vector_load_idx %arg6[%add3A_162] : memref<4096xi32, #tpu.memory_space<vmem>>[vector<16xi32>], vector<16xi32>,
      %mul3A_164 = vector.broadcast %scan3A : i32 to vector<16xi32>
      %mul3A_165 = arith.muli %gather3A_163, %mul3A_164 : vector<16xi32>
      %add3A_166 = arith.addi %mul3A_165, %rem3A_90 : vector<16xi32>
      %gather3A_167 = tpu.vector_load_idx %arg7[%add3A_166] : memref<24576xf32, #tpu.memory_space<vmem>>[vector<16xi32>], vector<16xf32>,
      %add3A_168 = arith.addi %broadcast_in_dim3A_109, %rem3A_90 : vector<16xi32>
      %gather3A_169 = tpu.vector_load_idx %arg8[%add3A_168] : memref<384xf32, #tpu.memory_space<vmem>>[vector<16xi32>], vector<16xf32>,
      %sub3A_170 = arith.subf %gather3A_167, %gather3A_169 : vector<16xf32>
      %add3A_171 = arith.constant 64 : i32
      %add3A_172 = arith.addi %mul3A_111, %add3A_171 : i32
      %swap3A_173 = arith.index_cast %add3A_172 : i32 to index
      %swap3A_174 = tpu.vector_load %arg9[%swap3A_173] {strides = array<i32>} : memref<12288xf32, #tpu.memory_space<vmem>>, vector<16xf32>,
      tpu.vector_store %arg9[%swap3A_173], %sub3A_170 {strides = array<i32>} : memref<12288xf32, #tpu.memory_space<vmem>>, vector<16xf32>,
      %add3A_175 = arith.addi %broadcast_in_dim3A, %div3A_60 : vector<16xi32>
      %gather3A_176 = tpu.vector_load_idx %arg6[%add3A_175] : memref<4096xi32, #tpu.memory_space<vmem>>[vector<16xi32>], vector<16xi32>,
      %mul3A_177 = vector.broadcast %scan3A : i32 to vector<16xi32>
      %mul3A_178 = arith.muli %gather3A_176, %mul3A_177 : vector<16xi32>
      %add3A_179 = arith.addi %mul3A_178, %rem3A_96 : vector<16xi32>
      %gather3A_180 = tpu.vector_load_idx %arg7[%add3A_179] : memref<24576xf32, #tpu.memory_space<vmem>>[vector<16xi32>], vector<16xf32>,
      %add3A_181 = arith.addi %broadcast_in_dim3A_109, %rem3A_96 : vector<16xi32>
      %gather3A_182 = tpu.vector_load_idx %arg8[%add3A_181] : memref<384xf32, #tpu.memory_space<vmem>>[vector<16xi32>], vector<16xf32>,
      %sub3A_183 = arith.subf %gather3A_180, %gather3A_182 : vector<16xf32>
      %add3A_184 = arith.constant 80 : i32
      %add3A_185 = arith.addi %mul3A_111, %add3A_184 : i32
      %swap3A_186 = arith.index_cast %add3A_185 : i32 to index
      %swap3A_187 = tpu.vector_load %arg9[%swap3A_186] {strides = array<i32>} : memref<12288xf32, #tpu.memory_space<vmem>>, vector<16xf32>,
      tpu.vector_store %arg9[%swap3A_186], %sub3A_183 {strides = array<i32>} : memref<12288xf32, #tpu.memory_space<vmem>>, vector<16xf32>,
    }
    %scan3A_101 = arith.constant 128 : i32
    %mul3A_102 = arith.constant 12288 : i32
    %mul3A_103 = arith.muli %add3A, %mul3A_102 : i32
    "tpu.region"() ({
      %run_scoped3A = tpu.sem_alloc : memref<!tpu.dma_semaphore, #tpu.memory_space<semaphore_mem>>
      %dma_start3A = tpu.memref_slice %arg5[%mul3A_103] : memref<393216xf32, #tpu.memory_space<hbm>> -> memref<12288xf32, #tpu.memory_space<hbm>>
      %dma_start3A_104 = tpu.memref_slice %arg5[%mul3A_103] : memref<393216xf32, #tpu.memory_space<hbm>> -> memref<12288xf32, #tpu.memory_space<hbm>>
      tpu.enqueue_dma source(%arg9 : memref<12288xf32, #tpu.memory_space<vmem>>) target(%dma_start3A_104 : memref<12288xf32, #tpu.memory_space<hbm>>) target_semaphore(%run_scoped3A : memref<!tpu.dma_semaphore, #tpu.memory_space<semaphore_mem>>)
      %dma_wait3A = tpu.memref_slice %arg5[%mul3A_103] : memref<393216xf32, #tpu.memory_space<hbm>> -> memref<12288xf32, #tpu.memory_space<hbm>>
      %dma_wait3A_105 = tpu.memref_slice %arg5[%mul3A_103] : memref<393216xf32, #tpu.memory_space<hbm>> -> memref<12288xf32, #tpu.memory_space<hbm>>
      tpu.wait_dma2 semaphore(%run_scoped3A : memref<!tpu.dma_semaphore, #tpu.memory_space<semaphore_mem>>) src(%arg9 : memref<12288xf32, #tpu.memory_space<vmem>>) dst(%dma_wait3A_105 : memref<12288xf32, #tpu.memory_space<hbm>>)
      tpu.yield
    }) : () -> ()
    return
  }
}

module attributes {stable_mosaic.version = 14 : i64} {
  func.func @_topk_kernel(%arg0: i32, %arg1: i32, %arg2: memref<1x1x128xi32, #tpu.memory_space<vmem>>, %arg3: memref<1x3x8192xf32, #tpu.memory_space<vmem>>, %arg4: memref<1x128x32xi32, #tpu.memory_space<vmem>>, %arg5: memref<1x128x3xf32, #tpu.memory_space<vmem>>) attributes {dimension_semantics = [#tpu.dimension_semantics<arbitrary>, #tpu.dimension_semantics<arbitrary>], iteration_bounds = array<i64: 8, 4>, scalar_prefetch = 0 : i64, scratch_operands = 0 : i64, tpu.core_type = #tpu.core_type<tc>, window_params = [{transform_indices = @transform_0, window_bounds = array<i64: 1, 1, 128>}, {transform_indices = @transform_1, window_bounds = array<i64: 1, 3, 8192>}, {transform_indices = @transform_2, window_bounds = array<i64: 1, 128, 32>}, {transform_indices = @transform_3, window_bounds = array<i64: 1, 128, 3>}]} {
    %get3A = arith.constant 0 : index
    %get3A_0 = arith.constant 0 : index
    %get3A_1 = arith.constant 0 : index
    %get3A_2 = vector.load %arg2[%get3A, %get3A_0, %get3A_1] : memref<1x1x128xi32, #tpu.memory_space<vmem>>, vector<1x1x128xi32>
    %get3A_3 = vector.shape_cast %get3A_2 : vector<1x1x128xi32> to vector<128xi32>
    %get3A_4 = arith.constant 0 : index
    %get3A_5 = arith.constant 0 : index
    %get3A_6 = arith.constant 0 : index
    %get3A_7 = vector.load %arg3[%get3A_4, %get3A_5, %get3A_6] : memref<1x3x8192xf32, #tpu.memory_space<vmem>>, vector<1x3x8192xf32>
    %get3A_8 = vector.shape_cast %get3A_7 : vector<1x3x8192xf32> to vector<3x8192xf32>
    %iota3A = tpu.iota {dimensions = array<i32: 1>} : vector<128x8192xi32>
    %convert_element_type3A = arith.sitofp %iota3A : vector<128x8192xi32> to vector<128x8192xf32>
    %slice3A = vector.extract_strided_slice %get3A_8 {offsets = [0, 0], sizes = [1, 8192], strides = [1, 1]} : vector<3x8192xf32> to vector<1x8192xf32>
    %slice3A_9 = vector.extract_strided_slice %get3A_8 {offsets = [1, 0], sizes = [1, 8192], strides = [1, 1]} : vector<3x8192xf32> to vector<1x8192xf32>
    %slice3A_10 = vector.extract_strided_slice %get3A_8 {offsets = [2, 0], sizes = [1, 8192], strides = [1, 1]} : vector<3x8192xf32> to vector<1x8192xf32>
    %broadcast_in_dim3A = vector.shape_cast %get3A_3 : vector<128xi32> to vector<128x1xi32>
    %eq3A = vector.broadcast %broadcast_in_dim3A : vector<128x1xi32> to vector<128x8192xi32>
    %eq3A_11 = arith.cmpi eq, %eq3A, %iota3A : vector<128x8192xi32>
    %jit3A = arith.constant 0.000000e+00 : f32
    %broadcast_in_dim3A_12 = vector.shape_cast %slice3A : vector<1x8192xf32> to vector<1x8192xf32>
    %broadcast_in_dim3A_13 = vector.broadcast %broadcast_in_dim3A_12 : vector<1x8192xf32> to vector<128x8192xf32>
    %broadcast_in_dim3A_14 = vector.broadcast %jit3A : f32 to vector<128x8192xf32>
    %select_n3A = arith.select %eq3A_11, %broadcast_in_dim3A_13, %broadcast_in_dim3A_14 : vector<128x8192xi1>, vector<128x8192xf32>
    %reduce_sum3A = arith.constant dense<0.000000e+00> : vector<128xf32>
    %reduce_sum3A_15 = vector.multi_reduction <add>, %select_n3A, %reduce_sum3A [1] : vector<128x8192xf32> to vector<128xf32>
    %broadcast_in_dim3A_16 = vector.shape_cast %reduce_sum3A_15 : vector<128xf32> to vector<128x1xf32>
    %jit3A_17 = arith.constant 0.000000e+00 : f32
    %broadcast_in_dim3A_18 = vector.shape_cast %slice3A_9 : vector<1x8192xf32> to vector<1x8192xf32>
    %broadcast_in_dim3A_19 = vector.broadcast %broadcast_in_dim3A_18 : vector<1x8192xf32> to vector<128x8192xf32>
    %broadcast_in_dim3A_20 = vector.broadcast %jit3A_17 : f32 to vector<128x8192xf32>
    %select_n3A_21 = arith.select %eq3A_11, %broadcast_in_dim3A_19, %broadcast_in_dim3A_20 : vector<128x8192xi1>, vector<128x8192xf32>
    %reduce_sum3A_22 = arith.constant dense<0.000000e+00> : vector<128xf32>
    %reduce_sum3A_23 = vector.multi_reduction <add>, %select_n3A_21, %reduce_sum3A_22 [1] : vector<128x8192xf32> to vector<128xf32>
    %broadcast_in_dim3A_24 = vector.shape_cast %reduce_sum3A_23 : vector<128xf32> to vector<128x1xf32>
    %jit3A_25 = arith.constant 0.000000e+00 : f32
    %broadcast_in_dim3A_26 = vector.shape_cast %slice3A_10 : vector<1x8192xf32> to vector<1x8192xf32>
    %broadcast_in_dim3A_27 = vector.broadcast %broadcast_in_dim3A_26 : vector<1x8192xf32> to vector<128x8192xf32>
    %broadcast_in_dim3A_28 = vector.broadcast %jit3A_25 : f32 to vector<128x8192xf32>
    %select_n3A_29 = arith.select %eq3A_11, %broadcast_in_dim3A_27, %broadcast_in_dim3A_28 : vector<128x8192xi1>, vector<128x8192xf32>
    %reduce_sum3A_30 = arith.constant dense<0.000000e+00> : vector<128xf32>
    %reduce_sum3A_31 = vector.multi_reduction <add>, %select_n3A_29, %reduce_sum3A_30 [1] : vector<128x8192xf32> to vector<128xf32>
    %broadcast_in_dim3A_32 = vector.shape_cast %reduce_sum3A_31 : vector<128xf32> to vector<128x1xf32>
    %concatenate3A = tpu.concatenate %broadcast_in_dim3A_16, %broadcast_in_dim3A_24, %broadcast_in_dim3A_32 in 1 : vector<128x1xf32>, vector<128x1xf32>, vector<128x1xf32> -> vector<128x3xf32>
    %mul3A = arith.mulf %slice3A, %slice3A : vector<1x8192xf32>
    %mul3A_33 = arith.mulf %slice3A_9, %slice3A_9 : vector<1x8192xf32>
    %add3A = arith.addf %mul3A, %mul3A_33 : vector<1x8192xf32>
    %mul3A_34 = arith.mulf %slice3A_10, %slice3A_10 : vector<1x8192xf32>
    %add3A_35 = arith.addf %add3A, %mul3A_34 : vector<1x8192xf32>
    %mul3A_36 = arith.mulf %broadcast_in_dim3A_16, %broadcast_in_dim3A_16 : vector<128x1xf32>
    %mul3A_37 = arith.mulf %broadcast_in_dim3A_24, %broadcast_in_dim3A_24 : vector<128x1xf32>
    %add3A_38 = arith.addf %mul3A_36, %mul3A_37 : vector<128x1xf32>
    %mul3A_39 = arith.mulf %broadcast_in_dim3A_32, %broadcast_in_dim3A_32 : vector<128x1xf32>
    %add3A_40 = arith.addf %add3A_38, %mul3A_39 : vector<128x1xf32>
    %dot_general3A = arith.constant dense<0.000000e+00> : vector<128x8192xf32>
    %dot_general3A_41 = tpu.matmul %concatenate3A, %get3A_8, %dot_general3A {dimension_numbers = #tpu.dot_dimension_numbers<[1], [0], [0], [1], [0, 0, 1, 1], [], []>, transpose_lhs_hint = false} : vector<128x3xf32>, vector<3x8192xf32>, vector<128x8192xf32> -> vector<128x8192xf32>
    %mul3A_42 = arith.constant -2.000000e+00 : f32
    %mul3A_43 = vector.broadcast %mul3A_42 : f32 to vector<128x8192xf32>
    %mul3A_44 = arith.mulf %mul3A_43, %dot_general3A_41 : vector<128x8192xf32>
    %add3A_45 = vector.broadcast %add3A_40 : vector<128x1xf32> to vector<128x8192xf32>
    %add3A_46 = arith.addf %mul3A_44, %add3A_45 : vector<128x8192xf32>
    %add3A_47 = vector.broadcast %add3A_35 : vector<1x8192xf32> to vector<128x8192xf32>
    %add3A_48 = arith.addf %add3A_46, %add3A_47 : vector<128x8192xf32>
    %reduce_min3A = arith.constant dense<0x7F800000> : vector<128xf32>
    %reduce_min3A_49 = vector.multi_reduction <minimumf>, %add3A_48, %reduce_min3A [1] : vector<128x8192xf32> to vector<128xf32>
    %broadcast_in_dim3A_50 = vector.shape_cast %reduce_min3A_49 : vector<128xf32> to vector<128x1xf32>
    %eq3A_51 = vector.broadcast %broadcast_in_dim3A_50 : vector<128x1xf32> to vector<128x8192xf32>
    %eq3A_52 = arith.cmpf oeq, %add3A_48, %eq3A_51 : vector<128x8192xf32>
    %jit3A_53 = arith.constant 1.000000e+09 : f32
    %broadcast_in_dim3A_54 = vector.broadcast %jit3A_53 : f32 to vector<128x8192xf32>
    %select_n3A_55 = arith.select %eq3A_52, %convert_element_type3A, %broadcast_in_dim3A_54 : vector<128x8192xi1>, vector<128x8192xf32>
    %reduce_min3A_56 = arith.constant dense<0x7F800000> : vector<128xf32>
    %reduce_min3A_57 = vector.multi_reduction <minimumf>, %select_n3A_55, %reduce_min3A_56 [1] : vector<128x8192xf32> to vector<128xf32>
    %broadcast_in_dim3A_58 = vector.shape_cast %reduce_min3A_57 : vector<128xf32> to vector<128x1xf32>
    %convert_element_type3A_59 = arith.fptosi %broadcast_in_dim3A_58 : vector<128x1xf32> to vector<128x1xi32>
    %eq3A_60 = vector.broadcast %convert_element_type3A_59 : vector<128x1xi32> to vector<128x8192xi32>
    %eq3A_61 = arith.cmpi eq, %iota3A, %eq3A_60 : vector<128x8192xi32>
    %jit3A_62 = arith.constant 0x7F800000 : f32
    %broadcast_in_dim3A_63 = vector.broadcast %jit3A_62 : f32 to vector<128x8192xf32>
    %select_n3A_64 = arith.select %eq3A_61, %broadcast_in_dim3A_63, %add3A_48 : vector<128x8192xi1>, vector<128x8192xf32>
    %reduce_min3A_65 = arith.constant dense<0x7F800000> : vector<128xf32>
    %reduce_min3A_66 = vector.multi_reduction <minimumf>, %select_n3A_64, %reduce_min3A_65 [1] : vector<128x8192xf32> to vector<128xf32>
    %broadcast_in_dim3A_67 = vector.shape_cast %reduce_min3A_66 : vector<128xf32> to vector<128x1xf32>
    %eq3A_68 = vector.broadcast %broadcast_in_dim3A_67 : vector<128x1xf32> to vector<128x8192xf32>
    %eq3A_69 = arith.cmpf oeq, %select_n3A_64, %eq3A_68 : vector<128x8192xf32>
    %jit3A_70 = arith.constant 1.000000e+09 : f32
    %broadcast_in_dim3A_71 = vector.broadcast %jit3A_70 : f32 to vector<128x8192xf32>
    %select_n3A_72 = arith.select %eq3A_69, %convert_element_type3A, %broadcast_in_dim3A_71 : vector<128x8192xi1>, vector<128x8192xf32>
    %reduce_min3A_73 = arith.constant dense<0x7F800000> : vector<128xf32>
    %reduce_min3A_74 = vector.multi_reduction <minimumf>, %select_n3A_72, %reduce_min3A_73 [1] : vector<128x8192xf32> to vector<128xf32>
    %broadcast_in_dim3A_75 = vector.shape_cast %reduce_min3A_74 : vector<128xf32> to vector<128x1xf32>
    %convert_element_type3A_76 = arith.fptosi %broadcast_in_dim3A_75 : vector<128x1xf32> to vector<128x1xi32>
    %eq3A_77 = vector.broadcast %convert_element_type3A_76 : vector<128x1xi32> to vector<128x8192xi32>
    %eq3A_78 = arith.cmpi eq, %iota3A, %eq3A_77 : vector<128x8192xi32>
    %jit3A_79 = arith.constant 0x7F800000 : f32
    %broadcast_in_dim3A_80 = vector.broadcast %jit3A_79 : f32 to vector<128x8192xf32>
    %select_n3A_81 = arith.select %eq3A_78, %broadcast_in_dim3A_80, %select_n3A_64 : vector<128x8192xi1>, vector<128x8192xf32>
    %reduce_min3A_82 = arith.constant dense<0x7F800000> : vector<128xf32>
    %reduce_min3A_83 = vector.multi_reduction <minimumf>, %select_n3A_81, %reduce_min3A_82 [1] : vector<128x8192xf32> to vector<128xf32>
    %broadcast_in_dim3A_84 = vector.shape_cast %reduce_min3A_83 : vector<128xf32> to vector<128x1xf32>
    %eq3A_85 = vector.broadcast %broadcast_in_dim3A_84 : vector<128x1xf32> to vector<128x8192xf32>
    %eq3A_86 = arith.cmpf oeq, %select_n3A_81, %eq3A_85 : vector<128x8192xf32>
    %jit3A_87 = arith.constant 1.000000e+09 : f32
    %broadcast_in_dim3A_88 = vector.broadcast %jit3A_87 : f32 to vector<128x8192xf32>
    %select_n3A_89 = arith.select %eq3A_86, %convert_element_type3A, %broadcast_in_dim3A_88 : vector<128x8192xi1>, vector<128x8192xf32>
    %reduce_min3A_90 = arith.constant dense<0x7F800000> : vector<128xf32>
    %reduce_min3A_91 = vector.multi_reduction <minimumf>, %select_n3A_89, %reduce_min3A_90 [1] : vector<128x8192xf32> to vector<128xf32>
    %broadcast_in_dim3A_92 = vector.shape_cast %reduce_min3A_91 : vector<128xf32> to vector<128x1xf32>
    %convert_element_type3A_93 = arith.fptosi %broadcast_in_dim3A_92 : vector<128x1xf32> to vector<128x1xi32>
    %eq3A_94 = vector.broadcast %convert_element_type3A_93 : vector<128x1xi32> to vector<128x8192xi32>
    %eq3A_95 = arith.cmpi eq, %iota3A, %eq3A_94 : vector<128x8192xi32>
    %jit3A_96 = arith.constant 0x7F800000 : f32
    %broadcast_in_dim3A_97 = vector.broadcast %jit3A_96 : f32 to vector<128x8192xf32>
    %select_n3A_98 = arith.select %eq3A_95, %broadcast_in_dim3A_97, %select_n3A_81 : vector<128x8192xi1>, vector<128x8192xf32>
    %reduce_min3A_99 = arith.constant dense<0x7F800000> : vector<128xf32>
    %reduce_min3A_100 = vector.multi_reduction <minimumf>, %select_n3A_98, %reduce_min3A_99 [1] : vector<128x8192xf32> to vector<128xf32>
    %broadcast_in_dim3A_101 = vector.shape_cast %reduce_min3A_100 : vector<128xf32> to vector<128x1xf32>
    %eq3A_102 = vector.broadcast %broadcast_in_dim3A_101 : vector<128x1xf32> to vector<128x8192xf32>
    %eq3A_103 = arith.cmpf oeq, %select_n3A_98, %eq3A_102 : vector<128x8192xf32>
    %jit3A_104 = arith.constant 1.000000e+09 : f32
    %broadcast_in_dim3A_105 = vector.broadcast %jit3A_104 : f32 to vector<128x8192xf32>
    %select_n3A_106 = arith.select %eq3A_103, %convert_element_type3A, %broadcast_in_dim3A_105 : vector<128x8192xi1>, vector<128x8192xf32>
    %reduce_min3A_107 = arith.constant dense<0x7F800000> : vector<128xf32>
    %reduce_min3A_108 = vector.multi_reduction <minimumf>, %select_n3A_106, %reduce_min3A_107 [1] : vector<128x8192xf32> to vector<128xf32>
    %broadcast_in_dim3A_109 = vector.shape_cast %reduce_min3A_108 : vector<128xf32> to vector<128x1xf32>
    %convert_element_type3A_110 = arith.fptosi %broadcast_in_dim3A_109 : vector<128x1xf32> to vector<128x1xi32>
    %eq3A_111 = vector.broadcast %convert_element_type3A_110 : vector<128x1xi32> to vector<128x8192xi32>
    %eq3A_112 = arith.cmpi eq, %iota3A, %eq3A_111 : vector<128x8192xi32>
    %jit3A_113 = arith.constant 0x7F800000 : f32
    %broadcast_in_dim3A_114 = vector.broadcast %jit3A_113 : f32 to vector<128x8192xf32>
    %select_n3A_115 = arith.select %eq3A_112, %broadcast_in_dim3A_114, %select_n3A_98 : vector<128x8192xi1>, vector<128x8192xf32>
    %reduce_min3A_116 = arith.constant dense<0x7F800000> : vector<128xf32>
    %reduce_min3A_117 = vector.multi_reduction <minimumf>, %select_n3A_115, %reduce_min3A_116 [1] : vector<128x8192xf32> to vector<128xf32>
    %broadcast_in_dim3A_118 = vector.shape_cast %reduce_min3A_117 : vector<128xf32> to vector<128x1xf32>
    %eq3A_119 = vector.broadcast %broadcast_in_dim3A_118 : vector<128x1xf32> to vector<128x8192xf32>
    %eq3A_120 = arith.cmpf oeq, %select_n3A_115, %eq3A_119 : vector<128x8192xf32>
    %jit3A_121 = arith.constant 1.000000e+09 : f32
    %broadcast_in_dim3A_122 = vector.broadcast %jit3A_121 : f32 to vector<128x8192xf32>
    %select_n3A_123 = arith.select %eq3A_120, %convert_element_type3A, %broadcast_in_dim3A_122 : vector<128x8192xi1>, vector<128x8192xf32>
    %reduce_min3A_124 = arith.constant dense<0x7F800000> : vector<128xf32>
    %reduce_min3A_125 = vector.multi_reduction <minimumf>, %select_n3A_123, %reduce_min3A_124 [1] : vector<128x8192xf32> to vector<128xf32>
    %broadcast_in_dim3A_126 = vector.shape_cast %reduce_min3A_125 : vector<128xf32> to vector<128x1xf32>
    %convert_element_type3A_127 = arith.fptosi %broadcast_in_dim3A_126 : vector<128x1xf32> to vector<128x1xi32>
    %eq3A_128 = vector.broadcast %convert_element_type3A_127 : vector<128x1xi32> to vector<128x8192xi32>
    %eq3A_129 = arith.cmpi eq, %iota3A, %eq3A_128 : vector<128x8192xi32>
    %jit3A_130 = arith.constant 0x7F800000 : f32
    %broadcast_in_dim3A_131 = vector.broadcast %jit3A_130 : f32 to vector<128x8192xf32>
    %select_n3A_132 = arith.select %eq3A_129, %broadcast_in_dim3A_131, %select_n3A_115 : vector<128x8192xi1>, vector<128x8192xf32>
    %reduce_min3A_133 = arith.constant dense<0x7F800000> : vector<128xf32>
    %reduce_min3A_134 = vector.multi_reduction <minimumf>, %select_n3A_132, %reduce_min3A_133 [1] : vector<128x8192xf32> to vector<128xf32>
    %broadcast_in_dim3A_135 = vector.shape_cast %reduce_min3A_134 : vector<128xf32> to vector<128x1xf32>
    %eq3A_136 = vector.broadcast %broadcast_in_dim3A_135 : vector<128x1xf32> to vector<128x8192xf32>
    %eq3A_137 = arith.cmpf oeq, %select_n3A_132, %eq3A_136 : vector<128x8192xf32>
    %jit3A_138 = arith.constant 1.000000e+09 : f32
    %broadcast_in_dim3A_139 = vector.broadcast %jit3A_138 : f32 to vector<128x8192xf32>
    %select_n3A_140 = arith.select %eq3A_137, %convert_element_type3A, %broadcast_in_dim3A_139 : vector<128x8192xi1>, vector<128x8192xf32>
    %reduce_min3A_141 = arith.constant dense<0x7F800000> : vector<128xf32>
    %reduce_min3A_142 = vector.multi_reduction <minimumf>, %select_n3A_140, %reduce_min3A_141 [1] : vector<128x8192xf32> to vector<128xf32>
    %broadcast_in_dim3A_143 = vector.shape_cast %reduce_min3A_142 : vector<128xf32> to vector<128x1xf32>
    %convert_element_type3A_144 = arith.fptosi %broadcast_in_dim3A_143 : vector<128x1xf32> to vector<128x1xi32>
    %eq3A_145 = vector.broadcast %convert_element_type3A_144 : vector<128x1xi32> to vector<128x8192xi32>
    %eq3A_146 = arith.cmpi eq, %iota3A, %eq3A_145 : vector<128x8192xi32>
    %jit3A_147 = arith.constant 0x7F800000 : f32
    %broadcast_in_dim3A_148 = vector.broadcast %jit3A_147 : f32 to vector<128x8192xf32>
    %select_n3A_149 = arith.select %eq3A_146, %broadcast_in_dim3A_148, %select_n3A_132 : vector<128x8192xi1>, vector<128x8192xf32>
    %reduce_min3A_150 = arith.constant dense<0x7F800000> : vector<128xf32>
    %reduce_min3A_151 = vector.multi_reduction <minimumf>, %select_n3A_149, %reduce_min3A_150 [1] : vector<128x8192xf32> to vector<128xf32>
    %broadcast_in_dim3A_152 = vector.shape_cast %reduce_min3A_151 : vector<128xf32> to vector<128x1xf32>
    %eq3A_153 = vector.broadcast %broadcast_in_dim3A_152 : vector<128x1xf32> to vector<128x8192xf32>
    %eq3A_154 = arith.cmpf oeq, %select_n3A_149, %eq3A_153 : vector<128x8192xf32>
    %jit3A_155 = arith.constant 1.000000e+09 : f32
    %broadcast_in_dim3A_156 = vector.broadcast %jit3A_155 : f32 to vector<128x8192xf32>
    %select_n3A_157 = arith.select %eq3A_154, %convert_element_type3A, %broadcast_in_dim3A_156 : vector<128x8192xi1>, vector<128x8192xf32>
    %reduce_min3A_158 = arith.constant dense<0x7F800000> : vector<128xf32>
    %reduce_min3A_159 = vector.multi_reduction <minimumf>, %select_n3A_157, %reduce_min3A_158 [1] : vector<128x8192xf32> to vector<128xf32>
    %broadcast_in_dim3A_160 = vector.shape_cast %reduce_min3A_159 : vector<128xf32> to vector<128x1xf32>
    %convert_element_type3A_161 = arith.fptosi %broadcast_in_dim3A_160 : vector<128x1xf32> to vector<128x1xi32>
    %eq3A_162 = vector.broadcast %convert_element_type3A_161 : vector<128x1xi32> to vector<128x8192xi32>
    %eq3A_163 = arith.cmpi eq, %iota3A, %eq3A_162 : vector<128x8192xi32>
    %jit3A_164 = arith.constant 0x7F800000 : f32
    %broadcast_in_dim3A_165 = vector.broadcast %jit3A_164 : f32 to vector<128x8192xf32>
    %select_n3A_166 = arith.select %eq3A_163, %broadcast_in_dim3A_165, %select_n3A_149 : vector<128x8192xi1>, vector<128x8192xf32>
    %reduce_min3A_167 = arith.constant dense<0x7F800000> : vector<128xf32>
    %reduce_min3A_168 = vector.multi_reduction <minimumf>, %select_n3A_166, %reduce_min3A_167 [1] : vector<128x8192xf32> to vector<128xf32>
    %broadcast_in_dim3A_169 = vector.shape_cast %reduce_min3A_168 : vector<128xf32> to vector<128x1xf32>
    %eq3A_170 = vector.broadcast %broadcast_in_dim3A_169 : vector<128x1xf32> to vector<128x8192xf32>
    %eq3A_171 = arith.cmpf oeq, %select_n3A_166, %eq3A_170 : vector<128x8192xf32>
    %jit3A_172 = arith.constant 1.000000e+09 : f32
    %broadcast_in_dim3A_173 = vector.broadcast %jit3A_172 : f32 to vector<128x8192xf32>
    %select_n3A_174 = arith.select %eq3A_171, %convert_element_type3A, %broadcast_in_dim3A_173 : vector<128x8192xi1>, vector<128x8192xf32>
    %reduce_min3A_175 = arith.constant dense<0x7F800000> : vector<128xf32>
    %reduce_min3A_176 = vector.multi_reduction <minimumf>, %select_n3A_174, %reduce_min3A_175 [1] : vector<128x8192xf32> to vector<128xf32>
    %broadcast_in_dim3A_177 = vector.shape_cast %reduce_min3A_176 : vector<128xf32> to vector<128x1xf32>
    %convert_element_type3A_178 = arith.fptosi %broadcast_in_dim3A_177 : vector<128x1xf32> to vector<128x1xi32>
    %eq3A_179 = vector.broadcast %convert_element_type3A_178 : vector<128x1xi32> to vector<128x8192xi32>
    %eq3A_180 = arith.cmpi eq, %iota3A, %eq3A_179 : vector<128x8192xi32>
    %jit3A_181 = arith.constant 0x7F800000 : f32
    %broadcast_in_dim3A_182 = vector.broadcast %jit3A_181 : f32 to vector<128x8192xf32>
    %select_n3A_183 = arith.select %eq3A_180, %broadcast_in_dim3A_182, %select_n3A_166 : vector<128x8192xi1>, vector<128x8192xf32>
    %reduce_min3A_184 = arith.constant dense<0x7F800000> : vector<128xf32>
    %reduce_min3A_185 = vector.multi_reduction <minimumf>, %select_n3A_183, %reduce_min3A_184 [1] : vector<128x8192xf32> to vector<128xf32>
    %broadcast_in_dim3A_186 = vector.shape_cast %reduce_min3A_185 : vector<128xf32> to vector<128x1xf32>
    %eq3A_187 = vector.broadcast %broadcast_in_dim3A_186 : vector<128x1xf32> to vector<128x8192xf32>
    %eq3A_188 = arith.cmpf oeq, %select_n3A_183, %eq3A_187 : vector<128x8192xf32>
    %jit3A_189 = arith.constant 1.000000e+09 : f32
    %broadcast_in_dim3A_190 = vector.broadcast %jit3A_189 : f32 to vector<128x8192xf32>
    %select_n3A_191 = arith.select %eq3A_188, %convert_element_type3A, %broadcast_in_dim3A_190 : vector<128x8192xi1>, vector<128x8192xf32>
    %reduce_min3A_192 = arith.constant dense<0x7F800000> : vector<128xf32>
    %reduce_min3A_193 = vector.multi_reduction <minimumf>, %select_n3A_191, %reduce_min3A_192 [1] : vector<128x8192xf32> to vector<128xf32>
    %broadcast_in_dim3A_194 = vector.shape_cast %reduce_min3A_193 : vector<128xf32> to vector<128x1xf32>
    %convert_element_type3A_195 = arith.fptosi %broadcast_in_dim3A_194 : vector<128x1xf32> to vector<128x1xi32>
    %eq3A_196 = vector.broadcast %convert_element_type3A_195 : vector<128x1xi32> to vector<128x8192xi32>
    %eq3A_197 = arith.cmpi eq, %iota3A, %eq3A_196 : vector<128x8192xi32>
    %jit3A_198 = arith.constant 0x7F800000 : f32
    %broadcast_in_dim3A_199 = vector.broadcast %jit3A_198 : f32 to vector<128x8192xf32>
    %select_n3A_200 = arith.select %eq3A_197, %broadcast_in_dim3A_199, %select_n3A_183 : vector<128x8192xi1>, vector<128x8192xf32>
    %reduce_min3A_201 = arith.constant dense<0x7F800000> : vector<128xf32>
    %reduce_min3A_202 = vector.multi_reduction <minimumf>, %select_n3A_200, %reduce_min3A_201 [1] : vector<128x8192xf32> to vector<128xf32>
    %broadcast_in_dim3A_203 = vector.shape_cast %reduce_min3A_202 : vector<128xf32> to vector<128x1xf32>
    %eq3A_204 = vector.broadcast %broadcast_in_dim3A_203 : vector<128x1xf32> to vector<128x8192xf32>
    %eq3A_205 = arith.cmpf oeq, %select_n3A_200, %eq3A_204 : vector<128x8192xf32>
    %jit3A_206 = arith.constant 1.000000e+09 : f32
    %broadcast_in_dim3A_207 = vector.broadcast %jit3A_206 : f32 to vector<128x8192xf32>
    %select_n3A_208 = arith.select %eq3A_205, %convert_element_type3A, %broadcast_in_dim3A_207 : vector<128x8192xi1>, vector<128x8192xf32>
    %reduce_min3A_209 = arith.constant dense<0x7F800000> : vector<128xf32>
    %reduce_min3A_210 = vector.multi_reduction <minimumf>, %select_n3A_208, %reduce_min3A_209 [1] : vector<128x8192xf32> to vector<128xf32>
    %broadcast_in_dim3A_211 = vector.shape_cast %reduce_min3A_210 : vector<128xf32> to vector<128x1xf32>
    %convert_element_type3A_212 = arith.fptosi %broadcast_in_dim3A_211 : vector<128x1xf32> to vector<128x1xi32>
    %eq3A_213 = vector.broadcast %convert_element_type3A_212 : vector<128x1xi32> to vector<128x8192xi32>
    %eq3A_214 = arith.cmpi eq, %iota3A, %eq3A_213 : vector<128x8192xi32>
    %jit3A_215 = arith.constant 0x7F800000 : f32
    %broadcast_in_dim3A_216 = vector.broadcast %jit3A_215 : f32 to vector<128x8192xf32>
    %select_n3A_217 = arith.select %eq3A_214, %broadcast_in_dim3A_216, %select_n3A_200 : vector<128x8192xi1>, vector<128x8192xf32>
    %reduce_min3A_218 = arith.constant dense<0x7F800000> : vector<128xf32>
    %reduce_min3A_219 = vector.multi_reduction <minimumf>, %select_n3A_217, %reduce_min3A_218 [1] : vector<128x8192xf32> to vector<128xf32>
    %broadcast_in_dim3A_220 = vector.shape_cast %reduce_min3A_219 : vector<128xf32> to vector<128x1xf32>
    %eq3A_221 = vector.broadcast %broadcast_in_dim3A_220 : vector<128x1xf32> to vector<128x8192xf32>
    %eq3A_222 = arith.cmpf oeq, %select_n3A_217, %eq3A_221 : vector<128x8192xf32>
    %jit3A_223 = arith.constant 1.000000e+09 : f32
    %broadcast_in_dim3A_224 = vector.broadcast %jit3A_223 : f32 to vector<128x8192xf32>
    %select_n3A_225 = arith.select %eq3A_222, %convert_element_type3A, %broadcast_in_dim3A_224 : vector<128x8192xi1>, vector<128x8192xf32>
    %reduce_min3A_226 = arith.constant dense<0x7F800000> : vector<128xf32>
    %reduce_min3A_227 = vector.multi_reduction <minimumf>, %select_n3A_225, %reduce_min3A_226 [1] : vector<128x8192xf32> to vector<128xf32>
    %broadcast_in_dim3A_228 = vector.shape_cast %reduce_min3A_227 : vector<128xf32> to vector<128x1xf32>
    %convert_element_type3A_229 = arith.fptosi %broadcast_in_dim3A_228 : vector<128x1xf32> to vector<128x1xi32>
    %eq3A_230 = vector.broadcast %convert_element_type3A_229 : vector<128x1xi32> to vector<128x8192xi32>
    %eq3A_231 = arith.cmpi eq, %iota3A, %eq3A_230 : vector<128x8192xi32>
    %jit3A_232 = arith.constant 0x7F800000 : f32
    %broadcast_in_dim3A_233 = vector.broadcast %jit3A_232 : f32 to vector<128x8192xf32>
    %select_n3A_234 = arith.select %eq3A_231, %broadcast_in_dim3A_233, %select_n3A_217 : vector<128x8192xi1>, vector<128x8192xf32>
    %reduce_min3A_235 = arith.constant dense<0x7F800000> : vector<128xf32>
    %reduce_min3A_236 = vector.multi_reduction <minimumf>, %select_n3A_234, %reduce_min3A_235 [1] : vector<128x8192xf32> to vector<128xf32>
    %broadcast_in_dim3A_237 = vector.shape_cast %reduce_min3A_236 : vector<128xf32> to vector<128x1xf32>
    %eq3A_238 = vector.broadcast %broadcast_in_dim3A_237 : vector<128x1xf32> to vector<128x8192xf32>
    %eq3A_239 = arith.cmpf oeq, %select_n3A_234, %eq3A_238 : vector<128x8192xf32>
    %jit3A_240 = arith.constant 1.000000e+09 : f32
    %broadcast_in_dim3A_241 = vector.broadcast %jit3A_240 : f32 to vector<128x8192xf32>
    %select_n3A_242 = arith.select %eq3A_239, %convert_element_type3A, %broadcast_in_dim3A_241 : vector<128x8192xi1>, vector<128x8192xf32>
    %reduce_min3A_243 = arith.constant dense<0x7F800000> : vector<128xf32>
    %reduce_min3A_244 = vector.multi_reduction <minimumf>, %select_n3A_242, %reduce_min3A_243 [1] : vector<128x8192xf32> to vector<128xf32>
    %broadcast_in_dim3A_245 = vector.shape_cast %reduce_min3A_244 : vector<128xf32> to vector<128x1xf32>
    %convert_element_type3A_246 = arith.fptosi %broadcast_in_dim3A_245 : vector<128x1xf32> to vector<128x1xi32>
    %eq3A_247 = vector.broadcast %convert_element_type3A_246 : vector<128x1xi32> to vector<128x8192xi32>
    %eq3A_248 = arith.cmpi eq, %iota3A, %eq3A_247 : vector<128x8192xi32>
    %jit3A_249 = arith.constant 0x7F800000 : f32
    %broadcast_in_dim3A_250 = vector.broadcast %jit3A_249 : f32 to vector<128x8192xf32>
    %select_n3A_251 = arith.select %eq3A_248, %broadcast_in_dim3A_250, %select_n3A_234 : vector<128x8192xi1>, vector<128x8192xf32>
    %reduce_min3A_252 = arith.constant dense<0x7F800000> : vector<128xf32>
    %reduce_min3A_253 = vector.multi_reduction <minimumf>, %select_n3A_251, %reduce_min3A_252 [1] : vector<128x8192xf32> to vector<128xf32>
    %broadcast_in_dim3A_254 = vector.shape_cast %reduce_min3A_253 : vector<128xf32> to vector<128x1xf32>
    %eq3A_255 = vector.broadcast %broadcast_in_dim3A_254 : vector<128x1xf32> to vector<128x8192xf32>
    %eq3A_256 = arith.cmpf oeq, %select_n3A_251, %eq3A_255 : vector<128x8192xf32>
    %jit3A_257 = arith.constant 1.000000e+09 : f32
    %broadcast_in_dim3A_258 = vector.broadcast %jit3A_257 : f32 to vector<128x8192xf32>
    %select_n3A_259 = arith.select %eq3A_256, %convert_element_type3A, %broadcast_in_dim3A_258 : vector<128x8192xi1>, vector<128x8192xf32>
    %reduce_min3A_260 = arith.constant dense<0x7F800000> : vector<128xf32>
    %reduce_min3A_261 = vector.multi_reduction <minimumf>, %select_n3A_259, %reduce_min3A_260 [1] : vector<128x8192xf32> to vector<128xf32>
    %broadcast_in_dim3A_262 = vector.shape_cast %reduce_min3A_261 : vector<128xf32> to vector<128x1xf32>
    %convert_element_type3A_263 = arith.fptosi %broadcast_in_dim3A_262 : vector<128x1xf32> to vector<128x1xi32>
    %eq3A_264 = vector.broadcast %convert_element_type3A_263 : vector<128x1xi32> to vector<128x8192xi32>
    %eq3A_265 = arith.cmpi eq, %iota3A, %eq3A_264 : vector<128x8192xi32>
    %jit3A_266 = arith.constant 0x7F800000 : f32
    %broadcast_in_dim3A_267 = vector.broadcast %jit3A_266 : f32 to vector<128x8192xf32>
    %select_n3A_268 = arith.select %eq3A_265, %broadcast_in_dim3A_267, %select_n3A_251 : vector<128x8192xi1>, vector<128x8192xf32>
    %reduce_min3A_269 = arith.constant dense<0x7F800000> : vector<128xf32>
    %reduce_min3A_270 = vector.multi_reduction <minimumf>, %select_n3A_268, %reduce_min3A_269 [1] : vector<128x8192xf32> to vector<128xf32>
    %broadcast_in_dim3A_271 = vector.shape_cast %reduce_min3A_270 : vector<128xf32> to vector<128x1xf32>
    %eq3A_272 = vector.broadcast %broadcast_in_dim3A_271 : vector<128x1xf32> to vector<128x8192xf32>
    %eq3A_273 = arith.cmpf oeq, %select_n3A_268, %eq3A_272 : vector<128x8192xf32>
    %jit3A_274 = arith.constant 1.000000e+09 : f32
    %broadcast_in_dim3A_275 = vector.broadcast %jit3A_274 : f32 to vector<128x8192xf32>
    %select_n3A_276 = arith.select %eq3A_273, %convert_element_type3A, %broadcast_in_dim3A_275 : vector<128x8192xi1>, vector<128x8192xf32>
    %reduce_min3A_277 = arith.constant dense<0x7F800000> : vector<128xf32>
    %reduce_min3A_278 = vector.multi_reduction <minimumf>, %select_n3A_276, %reduce_min3A_277 [1] : vector<128x8192xf32> to vector<128xf32>
    %broadcast_in_dim3A_279 = vector.shape_cast %reduce_min3A_278 : vector<128xf32> to vector<128x1xf32>
    %convert_element_type3A_280 = arith.fptosi %broadcast_in_dim3A_279 : vector<128x1xf32> to vector<128x1xi32>
    %eq3A_281 = vector.broadcast %convert_element_type3A_280 : vector<128x1xi32> to vector<128x8192xi32>
    %eq3A_282 = arith.cmpi eq, %iota3A, %eq3A_281 : vector<128x8192xi32>
    %jit3A_283 = arith.constant 0x7F800000 : f32
    %broadcast_in_dim3A_284 = vector.broadcast %jit3A_283 : f32 to vector<128x8192xf32>
    %select_n3A_285 = arith.select %eq3A_282, %broadcast_in_dim3A_284, %select_n3A_268 : vector<128x8192xi1>, vector<128x8192xf32>
    %reduce_min3A_286 = arith.constant dense<0x7F800000> : vector<128xf32>
    %reduce_min3A_287 = vector.multi_reduction <minimumf>, %select_n3A_285, %reduce_min3A_286 [1] : vector<128x8192xf32> to vector<128xf32>
    %broadcast_in_dim3A_288 = vector.shape_cast %reduce_min3A_287 : vector<128xf32> to vector<128x1xf32>
    %eq3A_289 = vector.broadcast %broadcast_in_dim3A_288 : vector<128x1xf32> to vector<128x8192xf32>
    %eq3A_290 = arith.cmpf oeq, %select_n3A_285, %eq3A_289 : vector<128x8192xf32>
    %jit3A_291 = arith.constant 1.000000e+09 : f32
    %broadcast_in_dim3A_292 = vector.broadcast %jit3A_291 : f32 to vector<128x8192xf32>
    %select_n3A_293 = arith.select %eq3A_290, %convert_element_type3A, %broadcast_in_dim3A_292 : vector<128x8192xi1>, vector<128x8192xf32>
    %reduce_min3A_294 = arith.constant dense<0x7F800000> : vector<128xf32>
    %reduce_min3A_295 = vector.multi_reduction <minimumf>, %select_n3A_293, %reduce_min3A_294 [1] : vector<128x8192xf32> to vector<128xf32>
    %broadcast_in_dim3A_296 = vector.shape_cast %reduce_min3A_295 : vector<128xf32> to vector<128x1xf32>
    %convert_element_type3A_297 = arith.fptosi %broadcast_in_dim3A_296 : vector<128x1xf32> to vector<128x1xi32>
    %eq3A_298 = vector.broadcast %convert_element_type3A_297 : vector<128x1xi32> to vector<128x8192xi32>
    %eq3A_299 = arith.cmpi eq, %iota3A, %eq3A_298 : vector<128x8192xi32>
    %jit3A_300 = arith.constant 0x7F800000 : f32
    %broadcast_in_dim3A_301 = vector.broadcast %jit3A_300 : f32 to vector<128x8192xf32>
    %select_n3A_302 = arith.select %eq3A_299, %broadcast_in_dim3A_301, %select_n3A_285 : vector<128x8192xi1>, vector<128x8192xf32>
    %reduce_min3A_303 = arith.constant dense<0x7F800000> : vector<128xf32>
    %reduce_min3A_304 = vector.multi_reduction <minimumf>, %select_n3A_302, %reduce_min3A_303 [1] : vector<128x8192xf32> to vector<128xf32>
    %broadcast_in_dim3A_305 = vector.shape_cast %reduce_min3A_304 : vector<128xf32> to vector<128x1xf32>
    %eq3A_306 = vector.broadcast %broadcast_in_dim3A_305 : vector<128x1xf32> to vector<128x8192xf32>
    %eq3A_307 = arith.cmpf oeq, %select_n3A_302, %eq3A_306 : vector<128x8192xf32>
    %jit3A_308 = arith.constant 1.000000e+09 : f32
    %broadcast_in_dim3A_309 = vector.broadcast %jit3A_308 : f32 to vector<128x8192xf32>
    %select_n3A_310 = arith.select %eq3A_307, %convert_element_type3A, %broadcast_in_dim3A_309 : vector<128x8192xi1>, vector<128x8192xf32>
    %reduce_min3A_311 = arith.constant dense<0x7F800000> : vector<128xf32>
    %reduce_min3A_312 = vector.multi_reduction <minimumf>, %select_n3A_310, %reduce_min3A_311 [1] : vector<128x8192xf32> to vector<128xf32>
    %broadcast_in_dim3A_313 = vector.shape_cast %reduce_min3A_312 : vector<128xf32> to vector<128x1xf32>
    %convert_element_type3A_314 = arith.fptosi %broadcast_in_dim3A_313 : vector<128x1xf32> to vector<128x1xi32>
    %eq3A_315 = vector.broadcast %convert_element_type3A_314 : vector<128x1xi32> to vector<128x8192xi32>
    %eq3A_316 = arith.cmpi eq, %iota3A, %eq3A_315 : vector<128x8192xi32>
    %jit3A_317 = arith.constant 0x7F800000 : f32
    %broadcast_in_dim3A_318 = vector.broadcast %jit3A_317 : f32 to vector<128x8192xf32>
    %select_n3A_319 = arith.select %eq3A_316, %broadcast_in_dim3A_318, %select_n3A_302 : vector<128x8192xi1>, vector<128x8192xf32>
    %reduce_min3A_320 = arith.constant dense<0x7F800000> : vector<128xf32>
    %reduce_min3A_321 = vector.multi_reduction <minimumf>, %select_n3A_319, %reduce_min3A_320 [1] : vector<128x8192xf32> to vector<128xf32>
    %broadcast_in_dim3A_322 = vector.shape_cast %reduce_min3A_321 : vector<128xf32> to vector<128x1xf32>
    %eq3A_323 = vector.broadcast %broadcast_in_dim3A_322 : vector<128x1xf32> to vector<128x8192xf32>
    %eq3A_324 = arith.cmpf oeq, %select_n3A_319, %eq3A_323 : vector<128x8192xf32>
    %jit3A_325 = arith.constant 1.000000e+09 : f32
    %broadcast_in_dim3A_326 = vector.broadcast %jit3A_325 : f32 to vector<128x8192xf32>
    %select_n3A_327 = arith.select %eq3A_324, %convert_element_type3A, %broadcast_in_dim3A_326 : vector<128x8192xi1>, vector<128x8192xf32>
    %reduce_min3A_328 = arith.constant dense<0x7F800000> : vector<128xf32>
    %reduce_min3A_329 = vector.multi_reduction <minimumf>, %select_n3A_327, %reduce_min3A_328 [1] : vector<128x8192xf32> to vector<128xf32>
    %broadcast_in_dim3A_330 = vector.shape_cast %reduce_min3A_329 : vector<128xf32> to vector<128x1xf32>
    %convert_element_type3A_331 = arith.fptosi %broadcast_in_dim3A_330 : vector<128x1xf32> to vector<128x1xi32>
    %eq3A_332 = vector.broadcast %convert_element_type3A_331 : vector<128x1xi32> to vector<128x8192xi32>
    %eq3A_333 = arith.cmpi eq, %iota3A, %eq3A_332 : vector<128x8192xi32>
    %jit3A_334 = arith.constant 0x7F800000 : f32
    %broadcast_in_dim3A_335 = vector.broadcast %jit3A_334 : f32 to vector<128x8192xf32>
    %select_n3A_336 = arith.select %eq3A_333, %broadcast_in_dim3A_335, %select_n3A_319 : vector<128x8192xi1>, vector<128x8192xf32>
    %reduce_min3A_337 = arith.constant dense<0x7F800000> : vector<128xf32>
    %reduce_min3A_338 = vector.multi_reduction <minimumf>, %select_n3A_336, %reduce_min3A_337 [1] : vector<128x8192xf32> to vector<128xf32>
    %broadcast_in_dim3A_339 = vector.shape_cast %reduce_min3A_338 : vector<128xf32> to vector<128x1xf32>
    %eq3A_340 = vector.broadcast %broadcast_in_dim3A_339 : vector<128x1xf32> to vector<128x8192xf32>
    %eq3A_341 = arith.cmpf oeq, %select_n3A_336, %eq3A_340 : vector<128x8192xf32>
    %jit3A_342 = arith.constant 1.000000e+09 : f32
    %broadcast_in_dim3A_343 = vector.broadcast %jit3A_342 : f32 to vector<128x8192xf32>
    %select_n3A_344 = arith.select %eq3A_341, %convert_element_type3A, %broadcast_in_dim3A_343 : vector<128x8192xi1>, vector<128x8192xf32>
    %reduce_min3A_345 = arith.constant dense<0x7F800000> : vector<128xf32>
    %reduce_min3A_346 = vector.multi_reduction <minimumf>, %select_n3A_344, %reduce_min3A_345 [1] : vector<128x8192xf32> to vector<128xf32>
    %broadcast_in_dim3A_347 = vector.shape_cast %reduce_min3A_346 : vector<128xf32> to vector<128x1xf32>
    %convert_element_type3A_348 = arith.fptosi %broadcast_in_dim3A_347 : vector<128x1xf32> to vector<128x1xi32>
    %eq3A_349 = vector.broadcast %convert_element_type3A_348 : vector<128x1xi32> to vector<128x8192xi32>
    %eq3A_350 = arith.cmpi eq, %iota3A, %eq3A_349 : vector<128x8192xi32>
    %jit3A_351 = arith.constant 0x7F800000 : f32
    %broadcast_in_dim3A_352 = vector.broadcast %jit3A_351 : f32 to vector<128x8192xf32>
    %select_n3A_353 = arith.select %eq3A_350, %broadcast_in_dim3A_352, %select_n3A_336 : vector<128x8192xi1>, vector<128x8192xf32>
    %reduce_min3A_354 = arith.constant dense<0x7F800000> : vector<128xf32>
    %reduce_min3A_355 = vector.multi_reduction <minimumf>, %select_n3A_353, %reduce_min3A_354 [1] : vector<128x8192xf32> to vector<128xf32>
    %broadcast_in_dim3A_356 = vector.shape_cast %reduce_min3A_355 : vector<128xf32> to vector<128x1xf32>
    %eq3A_357 = vector.broadcast %broadcast_in_dim3A_356 : vector<128x1xf32> to vector<128x8192xf32>
    %eq3A_358 = arith.cmpf oeq, %select_n3A_353, %eq3A_357 : vector<128x8192xf32>
    %jit3A_359 = arith.constant 1.000000e+09 : f32
    %broadcast_in_dim3A_360 = vector.broadcast %jit3A_359 : f32 to vector<128x8192xf32>
    %select_n3A_361 = arith.select %eq3A_358, %convert_element_type3A, %broadcast_in_dim3A_360 : vector<128x8192xi1>, vector<128x8192xf32>
    %reduce_min3A_362 = arith.constant dense<0x7F800000> : vector<128xf32>
    %reduce_min3A_363 = vector.multi_reduction <minimumf>, %select_n3A_361, %reduce_min3A_362 [1] : vector<128x8192xf32> to vector<128xf32>
    %broadcast_in_dim3A_364 = vector.shape_cast %reduce_min3A_363 : vector<128xf32> to vector<128x1xf32>
    %convert_element_type3A_365 = arith.fptosi %broadcast_in_dim3A_364 : vector<128x1xf32> to vector<128x1xi32>
    %eq3A_366 = vector.broadcast %convert_element_type3A_365 : vector<128x1xi32> to vector<128x8192xi32>
    %eq3A_367 = arith.cmpi eq, %iota3A, %eq3A_366 : vector<128x8192xi32>
    %jit3A_368 = arith.constant 0x7F800000 : f32
    %broadcast_in_dim3A_369 = vector.broadcast %jit3A_368 : f32 to vector<128x8192xf32>
    %select_n3A_370 = arith.select %eq3A_367, %broadcast_in_dim3A_369, %select_n3A_353 : vector<128x8192xi1>, vector<128x8192xf32>
    %reduce_min3A_371 = arith.constant dense<0x7F800000> : vector<128xf32>
    %reduce_min3A_372 = vector.multi_reduction <minimumf>, %select_n3A_370, %reduce_min3A_371 [1] : vector<128x8192xf32> to vector<128xf32>
    %broadcast_in_dim3A_373 = vector.shape_cast %reduce_min3A_372 : vector<128xf32> to vector<128x1xf32>
    %eq3A_374 = vector.broadcast %broadcast_in_dim3A_373 : vector<128x1xf32> to vector<128x8192xf32>
    %eq3A_375 = arith.cmpf oeq, %select_n3A_370, %eq3A_374 : vector<128x8192xf32>
    %jit3A_376 = arith.constant 1.000000e+09 : f32
    %broadcast_in_dim3A_377 = vector.broadcast %jit3A_376 : f32 to vector<128x8192xf32>
    %select_n3A_378 = arith.select %eq3A_375, %convert_element_type3A, %broadcast_in_dim3A_377 : vector<128x8192xi1>, vector<128x8192xf32>
    %reduce_min3A_379 = arith.constant dense<0x7F800000> : vector<128xf32>
    %reduce_min3A_380 = vector.multi_reduction <minimumf>, %select_n3A_378, %reduce_min3A_379 [1] : vector<128x8192xf32> to vector<128xf32>
    %broadcast_in_dim3A_381 = vector.shape_cast %reduce_min3A_380 : vector<128xf32> to vector<128x1xf32>
    %convert_element_type3A_382 = arith.fptosi %broadcast_in_dim3A_381 : vector<128x1xf32> to vector<128x1xi32>
    %eq3A_383 = vector.broadcast %convert_element_type3A_382 : vector<128x1xi32> to vector<128x8192xi32>
    %eq3A_384 = arith.cmpi eq, %iota3A, %eq3A_383 : vector<128x8192xi32>
    %jit3A_385 = arith.constant 0x7F800000 : f32
    %broadcast_in_dim3A_386 = vector.broadcast %jit3A_385 : f32 to vector<128x8192xf32>
    %select_n3A_387 = arith.select %eq3A_384, %broadcast_in_dim3A_386, %select_n3A_370 : vector<128x8192xi1>, vector<128x8192xf32>
    %reduce_min3A_388 = arith.constant dense<0x7F800000> : vector<128xf32>
    %reduce_min3A_389 = vector.multi_reduction <minimumf>, %select_n3A_387, %reduce_min3A_388 [1] : vector<128x8192xf32> to vector<128xf32>
    %broadcast_in_dim3A_390 = vector.shape_cast %reduce_min3A_389 : vector<128xf32> to vector<128x1xf32>
    %eq3A_391 = vector.broadcast %broadcast_in_dim3A_390 : vector<128x1xf32> to vector<128x8192xf32>
    %eq3A_392 = arith.cmpf oeq, %select_n3A_387, %eq3A_391 : vector<128x8192xf32>
    %jit3A_393 = arith.constant 1.000000e+09 : f32
    %broadcast_in_dim3A_394 = vector.broadcast %jit3A_393 : f32 to vector<128x8192xf32>
    %select_n3A_395 = arith.select %eq3A_392, %convert_element_type3A, %broadcast_in_dim3A_394 : vector<128x8192xi1>, vector<128x8192xf32>
    %reduce_min3A_396 = arith.constant dense<0x7F800000> : vector<128xf32>
    %reduce_min3A_397 = vector.multi_reduction <minimumf>, %select_n3A_395, %reduce_min3A_396 [1] : vector<128x8192xf32> to vector<128xf32>
    %broadcast_in_dim3A_398 = vector.shape_cast %reduce_min3A_397 : vector<128xf32> to vector<128x1xf32>
    %convert_element_type3A_399 = arith.fptosi %broadcast_in_dim3A_398 : vector<128x1xf32> to vector<128x1xi32>
    %eq3A_400 = vector.broadcast %convert_element_type3A_399 : vector<128x1xi32> to vector<128x8192xi32>
    %eq3A_401 = arith.cmpi eq, %iota3A, %eq3A_400 : vector<128x8192xi32>
    %jit3A_402 = arith.constant 0x7F800000 : f32
    %broadcast_in_dim3A_403 = vector.broadcast %jit3A_402 : f32 to vector<128x8192xf32>
    %select_n3A_404 = arith.select %eq3A_401, %broadcast_in_dim3A_403, %select_n3A_387 : vector<128x8192xi1>, vector<128x8192xf32>
    %reduce_min3A_405 = arith.constant dense<0x7F800000> : vector<128xf32>
    %reduce_min3A_406 = vector.multi_reduction <minimumf>, %select_n3A_404, %reduce_min3A_405 [1] : vector<128x8192xf32> to vector<128xf32>
    %broadcast_in_dim3A_407 = vector.shape_cast %reduce_min3A_406 : vector<128xf32> to vector<128x1xf32>
    %eq3A_408 = vector.broadcast %broadcast_in_dim3A_407 : vector<128x1xf32> to vector<128x8192xf32>
    %eq3A_409 = arith.cmpf oeq, %select_n3A_404, %eq3A_408 : vector<128x8192xf32>
    %jit3A_410 = arith.constant 1.000000e+09 : f32
    %broadcast_in_dim3A_411 = vector.broadcast %jit3A_410 : f32 to vector<128x8192xf32>
    %select_n3A_412 = arith.select %eq3A_409, %convert_element_type3A, %broadcast_in_dim3A_411 : vector<128x8192xi1>, vector<128x8192xf32>
    %reduce_min3A_413 = arith.constant dense<0x7F800000> : vector<128xf32>
    %reduce_min3A_414 = vector.multi_reduction <minimumf>, %select_n3A_412, %reduce_min3A_413 [1] : vector<128x8192xf32> to vector<128xf32>
    %broadcast_in_dim3A_415 = vector.shape_cast %reduce_min3A_414 : vector<128xf32> to vector<128x1xf32>
    %convert_element_type3A_416 = arith.fptosi %broadcast_in_dim3A_415 : vector<128x1xf32> to vector<128x1xi32>
    %eq3A_417 = vector.broadcast %convert_element_type3A_416 : vector<128x1xi32> to vector<128x8192xi32>
    %eq3A_418 = arith.cmpi eq, %iota3A, %eq3A_417 : vector<128x8192xi32>
    %jit3A_419 = arith.constant 0x7F800000 : f32
    %broadcast_in_dim3A_420 = vector.broadcast %jit3A_419 : f32 to vector<128x8192xf32>
    %select_n3A_421 = arith.select %eq3A_418, %broadcast_in_dim3A_420, %select_n3A_404 : vector<128x8192xi1>, vector<128x8192xf32>
    %reduce_min3A_422 = arith.constant dense<0x7F800000> : vector<128xf32>
    %reduce_min3A_423 = vector.multi_reduction <minimumf>, %select_n3A_421, %reduce_min3A_422 [1] : vector<128x8192xf32> to vector<128xf32>
    %broadcast_in_dim3A_424 = vector.shape_cast %reduce_min3A_423 : vector<128xf32> to vector<128x1xf32>
    %eq3A_425 = vector.broadcast %broadcast_in_dim3A_424 : vector<128x1xf32> to vector<128x8192xf32>
    %eq3A_426 = arith.cmpf oeq, %select_n3A_421, %eq3A_425 : vector<128x8192xf32>
    %jit3A_427 = arith.constant 1.000000e+09 : f32
    %broadcast_in_dim3A_428 = vector.broadcast %jit3A_427 : f32 to vector<128x8192xf32>
    %select_n3A_429 = arith.select %eq3A_426, %convert_element_type3A, %broadcast_in_dim3A_428 : vector<128x8192xi1>, vector<128x8192xf32>
    %reduce_min3A_430 = arith.constant dense<0x7F800000> : vector<128xf32>
    %reduce_min3A_431 = vector.multi_reduction <minimumf>, %select_n3A_429, %reduce_min3A_430 [1] : vector<128x8192xf32> to vector<128xf32>
    %broadcast_in_dim3A_432 = vector.shape_cast %reduce_min3A_431 : vector<128xf32> to vector<128x1xf32>
    %convert_element_type3A_433 = arith.fptosi %broadcast_in_dim3A_432 : vector<128x1xf32> to vector<128x1xi32>
    %eq3A_434 = vector.broadcast %convert_element_type3A_433 : vector<128x1xi32> to vector<128x8192xi32>
    %eq3A_435 = arith.cmpi eq, %iota3A, %eq3A_434 : vector<128x8192xi32>
    %jit3A_436 = arith.constant 0x7F800000 : f32
    %broadcast_in_dim3A_437 = vector.broadcast %jit3A_436 : f32 to vector<128x8192xf32>
    %select_n3A_438 = arith.select %eq3A_435, %broadcast_in_dim3A_437, %select_n3A_421 : vector<128x8192xi1>, vector<128x8192xf32>
    %reduce_min3A_439 = arith.constant dense<0x7F800000> : vector<128xf32>
    %reduce_min3A_440 = vector.multi_reduction <minimumf>, %select_n3A_438, %reduce_min3A_439 [1] : vector<128x8192xf32> to vector<128xf32>
    %broadcast_in_dim3A_441 = vector.shape_cast %reduce_min3A_440 : vector<128xf32> to vector<128x1xf32>
    %eq3A_442 = vector.broadcast %broadcast_in_dim3A_441 : vector<128x1xf32> to vector<128x8192xf32>
    %eq3A_443 = arith.cmpf oeq, %select_n3A_438, %eq3A_442 : vector<128x8192xf32>
    %jit3A_444 = arith.constant 1.000000e+09 : f32
    %broadcast_in_dim3A_445 = vector.broadcast %jit3A_444 : f32 to vector<128x8192xf32>
    %select_n3A_446 = arith.select %eq3A_443, %convert_element_type3A, %broadcast_in_dim3A_445 : vector<128x8192xi1>, vector<128x8192xf32>
    %reduce_min3A_447 = arith.constant dense<0x7F800000> : vector<128xf32>
    %reduce_min3A_448 = vector.multi_reduction <minimumf>, %select_n3A_446, %reduce_min3A_447 [1] : vector<128x8192xf32> to vector<128xf32>
    %broadcast_in_dim3A_449 = vector.shape_cast %reduce_min3A_448 : vector<128xf32> to vector<128x1xf32>
    %convert_element_type3A_450 = arith.fptosi %broadcast_in_dim3A_449 : vector<128x1xf32> to vector<128x1xi32>
    %eq3A_451 = vector.broadcast %convert_element_type3A_450 : vector<128x1xi32> to vector<128x8192xi32>
    %eq3A_452 = arith.cmpi eq, %iota3A, %eq3A_451 : vector<128x8192xi32>
    %jit3A_453 = arith.constant 0x7F800000 : f32
    %broadcast_in_dim3A_454 = vector.broadcast %jit3A_453 : f32 to vector<128x8192xf32>
    %select_n3A_455 = arith.select %eq3A_452, %broadcast_in_dim3A_454, %select_n3A_438 : vector<128x8192xi1>, vector<128x8192xf32>
    %reduce_min3A_456 = arith.constant dense<0x7F800000> : vector<128xf32>
    %reduce_min3A_457 = vector.multi_reduction <minimumf>, %select_n3A_455, %reduce_min3A_456 [1] : vector<128x8192xf32> to vector<128xf32>
    %broadcast_in_dim3A_458 = vector.shape_cast %reduce_min3A_457 : vector<128xf32> to vector<128x1xf32>
    %eq3A_459 = vector.broadcast %broadcast_in_dim3A_458 : vector<128x1xf32> to vector<128x8192xf32>
    %eq3A_460 = arith.cmpf oeq, %select_n3A_455, %eq3A_459 : vector<128x8192xf32>
    %jit3A_461 = arith.constant 1.000000e+09 : f32
    %broadcast_in_dim3A_462 = vector.broadcast %jit3A_461 : f32 to vector<128x8192xf32>
    %select_n3A_463 = arith.select %eq3A_460, %convert_element_type3A, %broadcast_in_dim3A_462 : vector<128x8192xi1>, vector<128x8192xf32>
    %reduce_min3A_464 = arith.constant dense<0x7F800000> : vector<128xf32>
    %reduce_min3A_465 = vector.multi_reduction <minimumf>, %select_n3A_463, %reduce_min3A_464 [1] : vector<128x8192xf32> to vector<128xf32>
    %broadcast_in_dim3A_466 = vector.shape_cast %reduce_min3A_465 : vector<128xf32> to vector<128x1xf32>
    %convert_element_type3A_467 = arith.fptosi %broadcast_in_dim3A_466 : vector<128x1xf32> to vector<128x1xi32>
    %eq3A_468 = vector.broadcast %convert_element_type3A_467 : vector<128x1xi32> to vector<128x8192xi32>
    %eq3A_469 = arith.cmpi eq, %iota3A, %eq3A_468 : vector<128x8192xi32>
    %jit3A_470 = arith.constant 0x7F800000 : f32
    %broadcast_in_dim3A_471 = vector.broadcast %jit3A_470 : f32 to vector<128x8192xf32>
    %select_n3A_472 = arith.select %eq3A_469, %broadcast_in_dim3A_471, %select_n3A_455 : vector<128x8192xi1>, vector<128x8192xf32>
    %reduce_min3A_473 = arith.constant dense<0x7F800000> : vector<128xf32>
    %reduce_min3A_474 = vector.multi_reduction <minimumf>, %select_n3A_472, %reduce_min3A_473 [1] : vector<128x8192xf32> to vector<128xf32>
    %broadcast_in_dim3A_475 = vector.shape_cast %reduce_min3A_474 : vector<128xf32> to vector<128x1xf32>
    %eq3A_476 = vector.broadcast %broadcast_in_dim3A_475 : vector<128x1xf32> to vector<128x8192xf32>
    %eq3A_477 = arith.cmpf oeq, %select_n3A_472, %eq3A_476 : vector<128x8192xf32>
    %jit3A_478 = arith.constant 1.000000e+09 : f32
    %broadcast_in_dim3A_479 = vector.broadcast %jit3A_478 : f32 to vector<128x8192xf32>
    %select_n3A_480 = arith.select %eq3A_477, %convert_element_type3A, %broadcast_in_dim3A_479 : vector<128x8192xi1>, vector<128x8192xf32>
    %reduce_min3A_481 = arith.constant dense<0x7F800000> : vector<128xf32>
    %reduce_min3A_482 = vector.multi_reduction <minimumf>, %select_n3A_480, %reduce_min3A_481 [1] : vector<128x8192xf32> to vector<128xf32>
    %broadcast_in_dim3A_483 = vector.shape_cast %reduce_min3A_482 : vector<128xf32> to vector<128x1xf32>
    %convert_element_type3A_484 = arith.fptosi %broadcast_in_dim3A_483 : vector<128x1xf32> to vector<128x1xi32>
    %eq3A_485 = vector.broadcast %convert_element_type3A_484 : vector<128x1xi32> to vector<128x8192xi32>
    %eq3A_486 = arith.cmpi eq, %iota3A, %eq3A_485 : vector<128x8192xi32>
    %jit3A_487 = arith.constant 0x7F800000 : f32
    %broadcast_in_dim3A_488 = vector.broadcast %jit3A_487 : f32 to vector<128x8192xf32>
    %select_n3A_489 = arith.select %eq3A_486, %broadcast_in_dim3A_488, %select_n3A_472 : vector<128x8192xi1>, vector<128x8192xf32>
    %reduce_min3A_490 = arith.constant dense<0x7F800000> : vector<128xf32>
    %reduce_min3A_491 = vector.multi_reduction <minimumf>, %select_n3A_489, %reduce_min3A_490 [1] : vector<128x8192xf32> to vector<128xf32>
    %broadcast_in_dim3A_492 = vector.shape_cast %reduce_min3A_491 : vector<128xf32> to vector<128x1xf32>
    %eq3A_493 = vector.broadcast %broadcast_in_dim3A_492 : vector<128x1xf32> to vector<128x8192xf32>
    %eq3A_494 = arith.cmpf oeq, %select_n3A_489, %eq3A_493 : vector<128x8192xf32>
    %jit3A_495 = arith.constant 1.000000e+09 : f32
    %broadcast_in_dim3A_496 = vector.broadcast %jit3A_495 : f32 to vector<128x8192xf32>
    %select_n3A_497 = arith.select %eq3A_494, %convert_element_type3A, %broadcast_in_dim3A_496 : vector<128x8192xi1>, vector<128x8192xf32>
    %reduce_min3A_498 = arith.constant dense<0x7F800000> : vector<128xf32>
    %reduce_min3A_499 = vector.multi_reduction <minimumf>, %select_n3A_497, %reduce_min3A_498 [1] : vector<128x8192xf32> to vector<128xf32>
    %broadcast_in_dim3A_500 = vector.shape_cast %reduce_min3A_499 : vector<128xf32> to vector<128x1xf32>
    %convert_element_type3A_501 = arith.fptosi %broadcast_in_dim3A_500 : vector<128x1xf32> to vector<128x1xi32>
    %eq3A_502 = vector.broadcast %convert_element_type3A_501 : vector<128x1xi32> to vector<128x8192xi32>
    %eq3A_503 = arith.cmpi eq, %iota3A, %eq3A_502 : vector<128x8192xi32>
    %jit3A_504 = arith.constant 0x7F800000 : f32
    %broadcast_in_dim3A_505 = vector.broadcast %jit3A_504 : f32 to vector<128x8192xf32>
    %select_n3A_506 = arith.select %eq3A_503, %broadcast_in_dim3A_505, %select_n3A_489 : vector<128x8192xi1>, vector<128x8192xf32>
    %reduce_min3A_507 = arith.constant dense<0x7F800000> : vector<128xf32>
    %reduce_min3A_508 = vector.multi_reduction <minimumf>, %select_n3A_506, %reduce_min3A_507 [1] : vector<128x8192xf32> to vector<128xf32>
    %broadcast_in_dim3A_509 = vector.shape_cast %reduce_min3A_508 : vector<128xf32> to vector<128x1xf32>
    %eq3A_510 = vector.broadcast %broadcast_in_dim3A_509 : vector<128x1xf32> to vector<128x8192xf32>
    %eq3A_511 = arith.cmpf oeq, %select_n3A_506, %eq3A_510 : vector<128x8192xf32>
    %jit3A_512 = arith.constant 1.000000e+09 : f32
    %broadcast_in_dim3A_513 = vector.broadcast %jit3A_512 : f32 to vector<128x8192xf32>
    %select_n3A_514 = arith.select %eq3A_511, %convert_element_type3A, %broadcast_in_dim3A_513 : vector<128x8192xi1>, vector<128x8192xf32>
    %reduce_min3A_515 = arith.constant dense<0x7F800000> : vector<128xf32>
    %reduce_min3A_516 = vector.multi_reduction <minimumf>, %select_n3A_514, %reduce_min3A_515 [1] : vector<128x8192xf32> to vector<128xf32>
    %broadcast_in_dim3A_517 = vector.shape_cast %reduce_min3A_516 : vector<128xf32> to vector<128x1xf32>
    %convert_element_type3A_518 = arith.fptosi %broadcast_in_dim3A_517 : vector<128x1xf32> to vector<128x1xi32>
    %eq3A_519 = vector.broadcast %convert_element_type3A_518 : vector<128x1xi32> to vector<128x8192xi32>
    %eq3A_520 = arith.cmpi eq, %iota3A, %eq3A_519 : vector<128x8192xi32>
    %jit3A_521 = arith.constant 0x7F800000 : f32
    %broadcast_in_dim3A_522 = vector.broadcast %jit3A_521 : f32 to vector<128x8192xf32>
    %select_n3A_523 = arith.select %eq3A_520, %broadcast_in_dim3A_522, %select_n3A_506 : vector<128x8192xi1>, vector<128x8192xf32>
    %reduce_min3A_524 = arith.constant dense<0x7F800000> : vector<128xf32>
    %reduce_min3A_525 = vector.multi_reduction <minimumf>, %select_n3A_523, %reduce_min3A_524 [1] : vector<128x8192xf32> to vector<128xf32>
    %broadcast_in_dim3A_526 = vector.shape_cast %reduce_min3A_525 : vector<128xf32> to vector<128x1xf32>
    %eq3A_527 = vector.broadcast %broadcast_in_dim3A_526 : vector<128x1xf32> to vector<128x8192xf32>
    %eq3A_528 = arith.cmpf oeq, %select_n3A_523, %eq3A_527 : vector<128x8192xf32>
    %jit3A_529 = arith.constant 1.000000e+09 : f32
    %broadcast_in_dim3A_530 = vector.broadcast %jit3A_529 : f32 to vector<128x8192xf32>
    %select_n3A_531 = arith.select %eq3A_528, %convert_element_type3A, %broadcast_in_dim3A_530 : vector<128x8192xi1>, vector<128x8192xf32>
    %reduce_min3A_532 = arith.constant dense<0x7F800000> : vector<128xf32>
    %reduce_min3A_533 = vector.multi_reduction <minimumf>, %select_n3A_531, %reduce_min3A_532 [1] : vector<128x8192xf32> to vector<128xf32>
    %broadcast_in_dim3A_534 = vector.shape_cast %reduce_min3A_533 : vector<128xf32> to vector<128x1xf32>
    %convert_element_type3A_535 = arith.fptosi %broadcast_in_dim3A_534 : vector<128x1xf32> to vector<128x1xi32>
    %eq3A_536 = vector.broadcast %convert_element_type3A_535 : vector<128x1xi32> to vector<128x8192xi32>
    %eq3A_537 = arith.cmpi eq, %iota3A, %eq3A_536 : vector<128x8192xi32>
    %jit3A_538 = arith.constant 0x7F800000 : f32
    %broadcast_in_dim3A_539 = vector.broadcast %jit3A_538 : f32 to vector<128x8192xf32>
    %select_n3A_540 = arith.select %eq3A_537, %broadcast_in_dim3A_539, %select_n3A_523 : vector<128x8192xi1>, vector<128x8192xf32>
    %reduce_min3A_541 = arith.constant dense<0x7F800000> : vector<128xf32>
    %reduce_min3A_542 = vector.multi_reduction <minimumf>, %select_n3A_540, %reduce_min3A_541 [1] : vector<128x8192xf32> to vector<128xf32>
    %broadcast_in_dim3A_543 = vector.shape_cast %reduce_min3A_542 : vector<128xf32> to vector<128x1xf32>
    %eq3A_544 = vector.broadcast %broadcast_in_dim3A_543 : vector<128x1xf32> to vector<128x8192xf32>
    %eq3A_545 = arith.cmpf oeq, %select_n3A_540, %eq3A_544 : vector<128x8192xf32>
    %jit3A_546 = arith.constant 1.000000e+09 : f32
    %broadcast_in_dim3A_547 = vector.broadcast %jit3A_546 : f32 to vector<128x8192xf32>
    %select_n3A_548 = arith.select %eq3A_545, %convert_element_type3A, %broadcast_in_dim3A_547 : vector<128x8192xi1>, vector<128x8192xf32>
    %reduce_min3A_549 = arith.constant dense<0x7F800000> : vector<128xf32>
    %reduce_min3A_550 = vector.multi_reduction <minimumf>, %select_n3A_548, %reduce_min3A_549 [1] : vector<128x8192xf32> to vector<128xf32>
    %broadcast_in_dim3A_551 = vector.shape_cast %reduce_min3A_550 : vector<128xf32> to vector<128x1xf32>
    %convert_element_type3A_552 = arith.fptosi %broadcast_in_dim3A_551 : vector<128x1xf32> to vector<128x1xi32>
    %eq3A_553 = vector.broadcast %convert_element_type3A_552 : vector<128x1xi32> to vector<128x8192xi32>
    %eq3A_554 = arith.cmpi eq, %iota3A, %eq3A_553 : vector<128x8192xi32>
    %jit3A_555 = arith.constant 0x7F800000 : f32
    %broadcast_in_dim3A_556 = vector.broadcast %jit3A_555 : f32 to vector<128x8192xf32>
    %select_n3A_557 = arith.select %eq3A_554, %broadcast_in_dim3A_556, %select_n3A_540 : vector<128x8192xi1>, vector<128x8192xf32>
    %reduce_min3A_558 = arith.constant dense<0x7F800000> : vector<128xf32>
    %reduce_min3A_559 = vector.multi_reduction <minimumf>, %select_n3A_557, %reduce_min3A_558 [1] : vector<128x8192xf32> to vector<128xf32>
    %broadcast_in_dim3A_560 = vector.shape_cast %reduce_min3A_559 : vector<128xf32> to vector<128x1xf32>
    %eq3A_561 = vector.broadcast %broadcast_in_dim3A_560 : vector<128x1xf32> to vector<128x8192xf32>
    %eq3A_562 = arith.cmpf oeq, %select_n3A_557, %eq3A_561 : vector<128x8192xf32>
    %jit3A_563 = arith.constant 1.000000e+09 : f32
    %broadcast_in_dim3A_564 = vector.broadcast %jit3A_563 : f32 to vector<128x8192xf32>
    %select_n3A_565 = arith.select %eq3A_562, %convert_element_type3A, %broadcast_in_dim3A_564 : vector<128x8192xi1>, vector<128x8192xf32>
    %reduce_min3A_566 = arith.constant dense<0x7F800000> : vector<128xf32>
    %reduce_min3A_567 = vector.multi_reduction <minimumf>, %select_n3A_565, %reduce_min3A_566 [1] : vector<128x8192xf32> to vector<128xf32>
    %broadcast_in_dim3A_568 = vector.shape_cast %reduce_min3A_567 : vector<128xf32> to vector<128x1xf32>
    %convert_element_type3A_569 = arith.fptosi %broadcast_in_dim3A_568 : vector<128x1xf32> to vector<128x1xi32>
    %eq3A_570 = vector.broadcast %convert_element_type3A_569 : vector<128x1xi32> to vector<128x8192xi32>
    %eq3A_571 = arith.cmpi eq, %iota3A, %eq3A_570 : vector<128x8192xi32>
    %jit3A_572 = arith.constant 0x7F800000 : f32
    %broadcast_in_dim3A_573 = vector.broadcast %jit3A_572 : f32 to vector<128x8192xf32>
    %select_n3A_574 = arith.select %eq3A_571, %broadcast_in_dim3A_573, %select_n3A_557 : vector<128x8192xi1>, vector<128x8192xf32>
    %reduce_min3A_575 = arith.constant dense<0x7F800000> : vector<128xf32>
    %reduce_min3A_576 = vector.multi_reduction <minimumf>, %select_n3A_574, %reduce_min3A_575 [1] : vector<128x8192xf32> to vector<128xf32>
    %broadcast_in_dim3A_577 = vector.shape_cast %reduce_min3A_576 : vector<128xf32> to vector<128x1xf32>
    %eq3A_578 = vector.broadcast %broadcast_in_dim3A_577 : vector<128x1xf32> to vector<128x8192xf32>
    %eq3A_579 = arith.cmpf oeq, %select_n3A_574, %eq3A_578 : vector<128x8192xf32>
    %jit3A_580 = arith.constant 1.000000e+09 : f32
    %broadcast_in_dim3A_581 = vector.broadcast %jit3A_580 : f32 to vector<128x8192xf32>
    %select_n3A_582 = arith.select %eq3A_579, %convert_element_type3A, %broadcast_in_dim3A_581 : vector<128x8192xi1>, vector<128x8192xf32>
    %reduce_min3A_583 = arith.constant dense<0x7F800000> : vector<128xf32>
    %reduce_min3A_584 = vector.multi_reduction <minimumf>, %select_n3A_582, %reduce_min3A_583 [1] : vector<128x8192xf32> to vector<128xf32>
    %broadcast_in_dim3A_585 = vector.shape_cast %reduce_min3A_584 : vector<128xf32> to vector<128x1xf32>
    %convert_element_type3A_586 = arith.fptosi %broadcast_in_dim3A_585 : vector<128x1xf32> to vector<128x1xi32>
    %concatenate3A_587 = tpu.concatenate %convert_element_type3A_59, %convert_element_type3A_76, %convert_element_type3A_93, %convert_element_type3A_110, %convert_element_type3A_127, %convert_element_type3A_144, %convert_element_type3A_161, %convert_element_type3A_178, %convert_element_type3A_195, %convert_element_type3A_212, %convert_element_type3A_229, %convert_element_type3A_246, %convert_element_type3A_263, %convert_element_type3A_280, %convert_element_type3A_297, %convert_element_type3A_314, %convert_element_type3A_331, %convert_element_type3A_348, %convert_element_type3A_365, %convert_element_type3A_382, %convert_element_type3A_399, %convert_element_type3A_416, %convert_element_type3A_433, %convert_element_type3A_450, %convert_element_type3A_467, %convert_element_type3A_484, %convert_element_type3A_501, %convert_element_type3A_518, %convert_element_type3A_535, %convert_element_type3A_552, %convert_element_type3A_569, %convert_element_type3A_586 in 1 : vector<128x1xi32>, vector<128x1xi32>, vector<128x1xi32>, vector<128x1xi32>, vector<128x1xi32>, vector<128x1xi32>, vector<128x1xi32>, vector<128x1xi32>, vector<128x1xi32>, vector<128x1xi32>, vector<128x1xi32>, vector<128x1xi32>, vector<128x1xi32>, vector<128x1xi32>, vector<128x1xi32>, vector<128x1xi32>, vector<128x1xi32>, vector<128x1xi32>, vector<128x1xi32>, vector<128x1xi32>, vector<128x1xi32>, vector<128x1xi32>, vector<128x1xi32>, vector<128x1xi32>, vector<128x1xi32>, vector<128x1xi32>, vector<128x1xi32>, vector<128x1xi32>, vector<128x1xi32>, vector<128x1xi32>, vector<128x1xi32>, vector<128x1xi32> -> vector<128x32xi32>
    %swap3A = arith.constant 0 : index
    %swap3A_588 = arith.constant 0 : index
    %swap3A_589 = arith.constant 0 : index
    %swap3A_590 = vector.load %arg4[%swap3A, %swap3A_588, %swap3A_589] : memref<1x128x32xi32, #tpu.memory_space<vmem>>, vector<1x128x32xi32>
    %swap3A_591 = vector.shape_cast %swap3A_590 : vector<1x128x32xi32> to vector<128x32xi32>
    %swap3A_592 = vector.shape_cast %concatenate3A_587 : vector<128x32xi32> to vector<1x128x32xi32>
    tpu.vector_store %arg4[%swap3A, %swap3A_588, %swap3A_589], %swap3A_592 {strides = array<i32>} : memref<1x128x32xi32, #tpu.memory_space<vmem>>, vector<1x128x32xi32>,
    %swap3A_593 = arith.constant 0 : index
    %swap3A_594 = arith.constant 0 : index
    %swap3A_595 = arith.constant 0 : index
    %swap3A_596 = vector.load %arg5[%swap3A_593, %swap3A_594, %swap3A_595] : memref<1x128x3xf32, #tpu.memory_space<vmem>>, vector<1x128x3xf32>
    %swap3A_597 = vector.shape_cast %swap3A_596 : vector<1x128x3xf32> to vector<128x3xf32>
    %swap3A_598 = vector.shape_cast %concatenate3A : vector<128x3xf32> to vector<1x128x3xf32>
    tpu.vector_store %arg5[%swap3A_593, %swap3A_594, %swap3A_595], %swap3A_598 {strides = array<i32>} : memref<1x128x3xf32, #tpu.memory_space<vmem>>, vector<1x128x3xf32>,
    return
  }
  func.func @transform_0(%arg0: i32, %arg1: i32) -> (i32, i32, i32) {
    %mul3A = arith.constant 4 : i32
    %mul3A_0 = arith.muli %arg0, %mul3A : i32
    %add3A = arith.addi %mul3A_0, %arg1 : i32
    %c0_i32 = arith.constant 0 : i32
    %c0_i32_1 = arith.constant 0 : i32
    %c0_i32_2 = arith.constant 0 : i32
    return %add3A, %c0_i32, %c0_i32_1 : i32, i32, i32
  }
  func.func @transform_1(%arg0: i32, %arg1: i32) -> (i32, i32, i32) {
    %c0_i32 = arith.constant 0 : i32
    %c0_i32_0 = arith.constant 0 : i32
    %c0_i32_1 = arith.constant 0 : i32
    return %arg0, %c0_i32, %c0_i32_0 : i32, i32, i32
  }
  func.func @transform_2(%arg0: i32, %arg1: i32) -> (i32, i32, i32) {
    %mul3A = arith.constant 4 : i32
    %mul3A_0 = arith.muli %arg0, %mul3A : i32
    %add3A = arith.addi %mul3A_0, %arg1 : i32
    %c0_i32 = arith.constant 0 : i32
    %c0_i32_1 = arith.constant 0 : i32
    %c0_i32_2 = arith.constant 0 : i32
    return %add3A, %c0_i32, %c0_i32_1 : i32, i32, i32
  }
  func.func @transform_3(%arg0: i32, %arg1: i32) -> (i32, i32, i32) {
    %mul3A = arith.constant 4 : i32
    %mul3A_0 = arith.muli %arg0, %mul3A : i32
    %add3A = arith.addi %mul3A_0, %arg1 : i32
    %c0_i32 = arith.constant 0 : i32
    %c0_i32_1 = arith.constant 0 : i32
    %c0_i32_2 = arith.constant 0 : i32
    return %add3A, %c0_i32, %c0_i32_1 : i32, i32, i32
  }
}

</mosaic_0001>

<sc_bundles>
// kernel: kernel.4.cloned.1.call-start
scs
__scs_entry_jumppad:
0x0: {  	(pc) =	sbr.rel $0x88, $3  }
0x1: {  	(tag) =	ssettag $0x0;
	lr =	simm.s32 $0x1  }
0x2: {  	[smem:$0x3F9F] =	sst lr;
	_ =	strace $0xD0000000  }
0x3: {  	_ = 	snop  }
0x4: {  	_ = 	snop  }
0x5: {  	_ = 	snop  }
0x6: {  	_ = 	snop  }
0x7: {  	_ = 	snop  }
__scs_overlays_trampoline_lowered:
0x8: {  	[smem:$0x3FAE] =	sst s0  }
0x9: {  	[smem:$0x3FAF] =	sst s1  }
0xa: {  	[smem:$0x3FB0] =	sst s2  }
0xb: {  	[smem:$0x3FB1] =	sst s3  }
0xc: {  	[smem:$0x3FB2] =	sst s4  }
0xd: {  	[smem:$0x3FB3] =	sst s5  }
0xe: {  	[smem:$0x3FB4] =	sst s6  }
0xf: {  	[smem:$0x3FB5] =	sst s7  }
0x10: {  	[smem:$0x3FB6] =	sst s8  }
0x11: {  	[smem:$0x3FB7] =	sst s9;
	s0 =	simm.s32 @!p0 $0x0  }
0x12: {  	s1 =	sld [smem:$0x3F9D];
	s0 =	simm.s32 @p0 $0x1  }
0x13: {  	[smem:$0x3FB8] =	sst s0;
	s0 =	simm.s32 @!p1 $0x0  }
0x14: {  	s2 =	sld [smem:$0x3F9C];
	s0 =	simm.s32 @p1 $0x1  }
0x15: {  	[smem:$0x3FB9] =	sst s0;
	s0 =	simm.s32 @!p2 $0x0  }
0x16: {  	s3 =	sld [smem:$0x3FDB];
	s0 =	simm.s32 @p2 $0x1  }
0x17: {  	s4 =	simm.s32 $0x1BF5;
	[smem:$0x3FBB] =	sst s0  }
0x18: {  	s0 =	sld [smem:$0x3F9E];
	_ =	swait.ge [sflag:s4], $0x0  }
0x19: {  	s7 =	sld [smem:$0x3F9F]  }
0x1a: {  	s8 =	sadd.s32 $0xFFFFE003, lr  }
0x1b: {  	s9 =	sadd.s32 $0xFFFFFEF7, lr;
	s5 =	simm.s32 $0xFFFFFFFF;
	p2 =	slt.u32 s8, $0xFFFFF086  }
0x1c: {  	p1 =	slt.u32 s9, $0xF7A;
	s5 =	simm.s32 @!p2 $0x0  }
0x1d: {  	s5 =	simm.s32 @p1 $0x1;
	p0 =	seq.s32 s7, s2  }
0x1e: {  	s7 =	smul.u32 @!p0 $0xF7A, s2;
	p2 =	seq.s32 @!p0 s5, $0x0  }
0x1f: {  	s9 =	smul.u32 $0xF7A, s1;
	s8 =	simm.s32 @!p0 $0x1BF5;
	p2 =	por !p2, p0  }
0x20: {  	[sflag:s8] =	ssyncset.s32 @!p0 $0xFFFFF086;
	s6 =	sadd.s32 @!p0 s3, s7;
	s7 =	simm.s32 @!p0 $0x108  }
0x21: {  	s3 =	sadd.s32 s3, s9;
	s6 =	sadd.s32 @!p0 $0x88, s6;
	s7 =	simm.s32 @p2 $0x1082  }
0x22: {  	[simem:s7], [sflag:s8] =	dma.local @!p0 [hbm:s6], $0xF7A  }
0x23: {  	s9 =	sor.u32 $0xD0000000, s2;
	s6 =	simm.s32 $0x108;
	_ =	swait.ge @!p0 [sflag:s8], $0x0  }
0x24: {  	s3 =	sadd.s32 $0x88, s3;
	s6 =	simm.s32 @!p1 $0x1082;
	[sflag:s4] =	ssyncset.s32 $0xFFFFF086  }
0x25: {  	[simem:s6], [sflag:s4] =	dma.local [hbm:s3], $0xF7A  }
0x26: {  	[smem:$0x3F9F] =	sst s1;
	(tag) =	ssettag s2;
	_ =	strace s9  }
0x27: {  	s1 =	sld [smem:$0x3FAF]  }
0x28: {  	s2 =	sld [smem:$0x3FB0]  }
0x29: {  	s4 =	sld [smem:$0x3FB2]  }
0x2a: {  	p0 =	seq.s32 s5, $0x0;
	s5 =	sld [smem:$0x3FB3]  }
0x2b: {  	s6 =	sld [smem:$0x3FB4]  }
0x2c: {  	s7 =	sld [smem:$0x3FB5]  }
0x2d: {  	s3 =	simm.s32 $0x108;
	s8 =	sld [smem:$0x3FB6]  }
0x2e: {  	s3 =	simm.s32 @!p0 $0x1082;
	s9 =	sld [smem:$0x3FB7]  }
0x2f: {  	lr =	sadd.s32 s0, s3;
	s0 =	sld [smem:$0x3FAE]  }
0x30: {  	s3 =	sld [smem:$0x3FB1]  }
0x31: {  	[smem:$0x3FBA] =	sst s10  }
0x32: {  	s10 =	sld [smem:$0x3FB8];
	_ =	sdelay $0x3  }
0x33: {  	p0 =	seq.s32 s10, $0x1;
	s10 =	sld [smem:$0x3FBA];
	_ =	sdelay $0x3  }
0x34: {  	[smem:$0x3FBA] =	sst s10  }
0x35: {  	s10 =	sld [smem:$0x3FB9];
	_ =	sdelay $0x3  }
0x36: {  	p1 =	seq.s32 s10, $0x1;
	s10 =	sld [smem:$0x3FBA];
	_ =	sdelay $0x3  }
0x37: {  	[smem:$0x3FBA] =	sst s10  }
0x38: {  	s10 =	sld [smem:$0x3FBB]  }
0x39: {  	_ = 	snop;
	(pc) =	sbr.ind lr, $3  }
0x3a: {  	_ = 	snop  }
0x3b: {  	_ = 	snop  }
0x3c: {  	p2 =	seq.s32 s10, $0x1;
	s10 =	sld [smem:$0x3FBA]  }
0x3d: {  	_ =	shalt  }
0x3e: {  	_ =	shalt  }
0x3f: {  	_ =	shalt  }
0x40: {  	_ =	shalt  }
0x41: {  	_ =	shalt  }
0x42: {  	_ =	shalt  }
0x43: {  	_ =	shalt  }
0x44: {  	_ =	shalt  }
0x45: {  	_ =	shalt  }
0x46: {  	_ =	shalt  }
0x47: {  	_ =	shalt  }
0x48: {  	_ =	shalt  }
0x49: {  	_ =	shalt  }
0x4a: {  	_ =	shalt  }
0x4b: {  	_ =	shalt  }
0x4c: {  	_ =	shalt  }
0x4d: {  	_ =	shalt  }
0x4e: {  	_ =	shalt  }
0x4f: {  	_ =	shalt  }
0x50: {  	_ =	shalt  }
0x51: {  	_ =	shalt  }
0x52: {  	_ =	shalt  }
0x53: {  	_ =	shalt  }
0x54: {  	_ =	shalt  }
0x55: {  	_ =	shalt  }
0x56: {  	_ =	shalt  }
0x57: {  	_ =	shalt  }
0x58: {  	_ =	shalt  }
0x59: {  	_ =	shalt  }
0x5a: {  	_ =	shalt  }
0x5b: {  	_ =	shalt  }
0x5c: {  	_ =	shalt  }
0x5d: {  	_ =	shalt  }
0x5e: {  	_ =	shalt  }
0x5f: {  	_ =	shalt  }
0x60: {  	_ =	shalt  }
0x61: {  	_ =	shalt  }
0x62: {  	_ =	shalt  }
0x63: {  	_ =	shalt  }
0x64: {  	_ =	shalt  }
0x65: {  	_ =	shalt  }
0x66: {  	_ =	shalt  }
0x67: {  	_ =	shalt  }
0x68: {  	_ =	shalt  }
0x69: {  	_ =	shalt  }
0x6a: {  	_ =	shalt  }
0x6b: {  	_ =	shalt  }
0x6c: {  	_ =	shalt  }
0x6d: {  	_ =	shalt  }
0x6e: {  	_ =	shalt  }
0x6f: {  	_ =	shalt  }
0x70: {  	_ =	shalt  }
0x71: {  	_ =	shalt  }
0x72: {  	_ =	shalt  }
0x73: {  	_ =	shalt  }
0x74: {  	_ =	shalt  }
0x75: {  	_ =	shalt  }
0x76: {  	_ =	shalt  }
0x77: {  	_ =	shalt  }
0x78: {  	_ =	shalt  }
0x79: {  	_ =	shalt  }
0x7a: {  	_ =	shalt  }
0x7b: {  	_ =	shalt  }
0x7c: {  	_ =	shalt  }
0x7d: {  	_ =	shalt  }
0x7e: {  	_ =	shalt  }
0x7f: {  	_ =	shalt  }
0x80: {  	_ =	shalt  }
0x81: {  	_ =	shalt  }
0x82: {  	_ =	shalt  }
0x83: {  	_ =	shalt  }
0x84: {  	_ =	shalt  }
0x85: {  	_ =	shalt  }
0x86: {  	_ =	shalt  }
0x87: {  	_ =	shalt  }
.Lfunc_end0:
.L_simem_size_0:
called_computation_lowered:
.L_overlay_start_0:
0x88: {  	s2 =	sld [smem:$0x3FD9]  }
0x89: {  	s3 =	sld [smem:$0x3FFE];
	_ =	sdelay $0x1  }
0x8a: {  	s1 =	srdreg.scid  }
0x8b: {  	s0 =	sand.u32 $0x1, s1  }
0x8c: {  	s14 =	sshll.u32 s0, $0xA;
	s2 =	sadd.s32 s3, s2  }
0x8d: {  	s2 =	sadd.s32 s2, s14  }
0x8e: {  	[smem:$0x3FC6] =	sst s2  }
0x8f: {  	_ = 	snop  }
0x90: {  	s2 =	sld [smem:$0x3FD0];
	_ =	sdelay $0x2  }
0x91: {  	s15 =	simm.s32 $0xA;
	s4 =	simm.s32 $0x10  }
0x92: {  	[smem:s4], [sflag:s15] =	dma.local [hbm:s2], $0x1  }
0x93: {  	_ =	swait.eq [sflag:s15], $0x1  }
0x94: {  	[sflag:s15] =	ssyncset.done $0x0  }
0x95: {  	[sflag:s15] =	ssyncadd.s32 $0xFFFFFFFF  }
0x96: {  	s16 =	sld [smem:$0x10];
	(tm) =	ssettm $0x1  }
0x97: {  	s17 =	sld [smem:$0x3FFB];
	_ =	sdelay $0x3  }
0x98: {  	_ =	strace s17  }
0x99: {  	s3 =	sld [smem:$0x3FFC];
	_ =	sdelay $0x3  }
0x9a: {  	_ =	strace s3  }
0x9b: {  	s3 =	sld [smem:$0x3FFD];
	_ =	sdelay $0x3  }
0x9c: {  	_ =	strace s3  }
0x9d: {  	_ =	strace $0x8FFFFFFF  }
0x9e: {  	s18 =	sld [smem:$0x3FDB];
	_ =	sdelay $0x1  }
0x9f: {  	s19 =	simm.s32 $_scs_section_size  }
0xa0: {  	s5 =	simm.s32 $_size__tile_overlayer_lowered;
	s6 =	simm.s32 $_tile_overlayer_lowered  }
0xa1: {  	s22 =	simm.s32 $0x1BFF;
	s21 =	sshll.u32 s6, $0x1;
	s3 =	sadd.s32 s19, s18  }
0xa2: {  	s7 =	simm.s32 $0x0;
	s20 =	sshll.u32 s5, $0x1;
	s5 =	sadd.s32 s21, s3  }
0xa3: {  	[timem:s7], [sflag:s22] =	dma.local [hbm:s5], s20  }
0xa4: {  	_ =	swait.ge [sflag:s22], s20  }
0xa5: {  	s4 =	ssub.s32 $0x0, s20;
	[sflag:s22] =	ssyncset.done $0x0  }
0xa6: {  	[sflag:s22] =	ssyncadd.s32 s4;
	_ =	sdelay $0x1  }
0xa7: {  	s23 =	simm.s32 $0x1B8B  }
0xa8: {  	_ =	swait.ge [sflag:s23], $0x1  }
0xa9: {  	[sflag:s23] =	ssyncset.done $0x0  }
0xaa: {  	s25 =	simm.s32 $0x1B8E;
	s24 =	sld [smem:$0x3FFE];
	[sflag:s23] =	ssyncadd.s32 $0xFFFFFFFF  }
0xab: {  	s26 =	simm.s32 $execute0_lowered;
	[smem:$0x3FD2] =	sst s25  }
0xac: {  	s5 =	sshll.u32 s26, $0x1;
	_ =	strace $0x80000046;
	[dreg:$0x1] =	wrdreg $0xFFFFFFFF  }
0xad: {  	s28 =	simm.s32 $_size_execute0_lowered;
	s3 =	sadd.s32 s3, s5;
	[dreg:$0x0] =	wrdreg $0x0  }
0xae: {  	s5 =	sshll.u32 s28, $0x1;
	[dreg:$0x2] =	wrdreg s3  }
0xaf: {  	[dreg:$0x3] =	wrdreg s5  }
0xb0: {  	[dreg:$0x4] =	wrdreg $0xC0  }
0xb1: {  	_ =	task [dreg:s7], $0x5FFFF  }
0xb2: {  	[dreg:$0x1] =	wrdreg $0xFFFFFFFF  }
0xb3: {  	[dreg:$0x0] =	wrdreg $0x60  }
0xb4: {  	[dreg:$0x2] =	wrdreg s24  }
0xb5: {  	[dreg:$0x3] =	wrdreg s16  }
0xb6: {  	[dreg:$0x4] =	wrdreg $0x9  }
0xb7: {  	_ =	task.clear_ibuf [dreg:s7], $0x5FFFF;
	_ =	strace $0x90000046  }
0xb8: {  	s29 =	simm.s32 $0x9;
	_ =	strace $0x80000048  }
0xb9: {  	_ =	swait.ge [sflag:s29], $0x1  }
0xba: {  	[sflag:s29] =	ssyncadd.s32 $0xFFFFFFFF  }
0xbb: {  	_ =	strace $0x90000048  }
0xbc: {  	_ =	sfence  }
0xbd: {  	s30 =	sld [smem:$0x0];
	_ =	sdelay $0x2  }
0xbe: {  	s31 =	sshll.u32 s1, $0xD;
	s1 =	sshrl.u32 s1, $0x2  }
0xbf: {  	s3 =	sand.u32 $0x4000, s31;
	s1 =	sadd.s32 s1, s30  }
0xc0: {  	s0 =	sor.u32 s3, s0;
	s1 =	sshll.u32 s1, $0x11  }
0xc1: {  	s0 =	sor.u32 s1, s0  }
0xc2: {  	s0 =	sadd.s32 $0x8F2B, s0  }
0xc3: {  	[sflag:s0] =	ssyncadd.remote.s32 $0x1  }
0xc4: {  	_ =	sfence.sel $0xFFFF  }
0xc5: {  	[dreg:$0x0] =	wrdreg $0xFFFFFFFF;
	(pc) =	sbr.abs _section_cstart, $3  }
0xc6: {  	[dreg:$0x1] =	wrdreg $0xFFFFFFFF  }
0xc7: {  	_ =	task.clear_ibuf [dreg:s7], $0x2FFFF;
	_ =	strace $0x9FFFFFFF  }
0xc8: {  	(tm) =	ssettm $0x7FFFFFFF  }
0xc9: {  	_ =	shalt  }
tec
execute0_lowered:
.L_overlay_start_1:
0x0: {  	(tag) =	ssettag $0x1  }
0x1: {  	v0 =	vimm.s32 $0xFEA540;
	v1 =	vimm.s32 $0x24924924;
	v2 =	vimm.s32 $0x77766655  }
0x2: {  	vm0 =	vcmask $0x2F00;
	vm12 =	vcmask $0x3B30;
	v3 =	vimm.s32 $0xDCCCBBBA  }
0x3: {  	v4 =	vimm.s32 $0x9080808;
	vm2 =	vcmask $0x1F00;
	vm1 =	vcmask $0x2F20  }
0x4: {  	v5 =	vimm.s32 $0xE0E0D0D;
	v6 =	vimm.s32 $0x11101010;
	vm13 =	vcmask $0xF00  }
0x5: {  	v7 =	vimm.s32 $0x13131312;
	vm3 =	vcmask $0x1F10;
	v8 =	vimm.s32 $0x16161515  }
0x6: {  	v9 =	vimm.s32 $0x92492492;
	vm14 =	vcmask $0x3730;
	v3 =	vunpack.c.l.s4.s8 v3  }
0x7: {  	vm15 =	vcmask $0x3330;
	v0 =	vunpack.c.l.s2.s4 v0;
	v1 =	vunpack.c.l.s2.s4 v1  }
0x8: {  	v2 =	vunpack.c.l.s4.s8 v2;
	v4 =	vunpack.c.0.s8.s32 v4;
	v3 =	vunpack.c.0.s8.s32 v3  }
0x9: {  	v5 =	vunpack.c.0.s8.s32 v5;
	v6 =	vunpack.c.0.s8.s32 v6;
	v7 =	vunpack.c.0.s8.s32 v7  }
0xa: {  	v9 =	vunpack.c.l.s2.s4 v9;
	v2 =	vunpack.c.0.s8.s32 v2;
	v3 =	vand.u32 $0xF, v3  }
0xb: {  	v0 =	vunpack.c.l.s4.s8 v0;
	v1 =	vunpack.c.l.s4.s8 v1;
	v3 =	vnsel vm2, $0xF, v3  }
0xc: {  	v2 =	vand.u32 $0xF, v2;
	v5 =	vsel vm1, v5, v3;
	v3 =	vimm.s32 $0x12121111  }
0xd: {  	v6 =	vnsel vm13, $0x15, v6;
	v2 =	vnsel vm2, $0xA, v2;
	v3 =	vunpack.c.0.s8.s32 v3  }
0xe: {  	v9 =	vunpack.c.l.s4.s8 v9;
	v0 =	vunpack.c.0.s8.s32 v0;
	v2 =	vsel vm1, v4, v2  }
0xf: {  	s3 =	rddreg [dreg:$0x0];
	v3 =	vsel vm3, v3, v6;
	v6 =	vunpack.c.0.s8.s32 v8;
	v8 =	vimm.s32 $0x17171716  }
0x10: {  	s6 =	rddreg [dreg:$0x1];
	v7 =	vsel vm1, v7, v3;
	v3 =	vunpack.c.0.s8.s32 v8;
	v8 =	vimm.s32 $0x19181818  }
0x11: {  	s0 =	stileid.u32;
	s1 =	rddreg [dreg:$0x2];
	s2 =	simm.s32 $0x0;
	v4 =	vimm.s32 $0x49249249;
	v6 =	vnsel vm13, $0x1A, v6;
	v8 =	vunpack.c.0.s8.s32 v8  }
0x12: {  	s5 =	srdreg.scid;
	s11 =	simm.s32 $0x7180;
	s12 =	simm.s32 $0x0;
	v4 =	vunpack.c.l.s2.s4 v4;
	v3 =	vsel vm3, v3, v6;
	v6 =	vimm.s32 $0x1B1B1B1A  }
0x13: {  	s4 =	sshrl.u32 s0, $0x1;
	s5 =	sand.u32 $0x1, s5;
	s7 =	sshll.u32 s0, $0x1;
	v8 =	vsel vm1, v8, v3;
	v3 =	vunpack.c.0.s8.s32 v6;
	v6 =	vimm.s32 $0x1D1C1C1C  }
0x14: {  	[smem:$0x7FF] =	sst s2;
	s4 =	smul.u32 $0xC00, s4;
	s7 =	sor.u32 s5, s7;
	v1 =	vunpack.c.0.s8.s32 v1;
	v4 =	vunpack.c.l.s4.s8 v4;
	v6 =	vunpack.c.0.s8.s32 v6  }
0x15: {  	_ =	strace $0x80000047;
	s5 =	ssub.s32 $0x2, s5;
	s9 =	smul.u32 $0x30, s7;
	v9 =	vunpack.c.0.s8.s32 v9;
	v0 =	vand.u32 $0x3, v0;
	v3 =	vnsel vm13, $0x1F, v3  }
0x16: {  	s8 =	sshll.u32 s7, $0x9;
	s10 =	sshrl.u32 s5, $0x1;
	s7 =	smul.u32 $0x600, s7;
	v4 =	vunpack.c.0.s8.s32 v4;
	v6 =	vsel vm3, v6, v3;
	v3 =	vimm.s32 $0x1E1E1D1D  }
0x17: {  	s4 =	sadd.s32 s4, s3;
	s8 =	sadd.s32 s8, s3;
	s10 =	ssub.s32 s5, s10;
	v1 =	vand.u32 $0x3, v1;
	v0 =	vnsel vm0, $0x5, v0;
	v10 =	vunpack.c.0.s8.s32 v3  }
0x18: {  	s9 =	sadd.s32 s9, s3;
	s3 =	sadd.s32 $0x100A00, s8;
	s4 =	sadd.s32 $0x105000, s4;
	v2 =	vsel vm14, $0x9, v2;
	v0 =	vsel vm12, $0x4, v0;
	v3 =	vand.u32 $0x3, v4  }
0x19: {  	s6 =	sadd.s32 s6, s7;
	s7 =	smax.u32 s10, $0x1;
	s10 =	simm.s32 $0x7000;
	v4 =	vsel vm15, $0xE, v5;
	v5 =	vand.u32 $0x3, v9;
	v9 =	vsel vm1, v10, v6  }
0x1a: {  	s8 =	simm.s32 $0x1;
	s5 =	sadd.s32 $0x104A00, s9;
	s9 =	simm.s32 $0x1000;
	v6 =	vsel vm12, $0x14, v7;
	v7 =	vsel vm14, $0x19, v8;
	v8 =	vsel vm15, $0x1E, v9  }
.LBB2_1:
0x1b: {  	[tilespmem:s2], [sflag:$0x1] =	stream.linear.gather [hbm4b:s3+s2], $0x1000, $0x38;
	[tilespmem:$0xA180] =	vst v63  }
0x1c: {  	_ =	swait.ge [sflag:s8], $0x1000  }
0x1d: {  	[sflag:s8] =	ssyncset.done $0x0  }
0x1e: {  	[sflag:s8] =	ssyncadd.s32 $0xFFFFF000  }
0x1f: {  	[tilespmem:s9], [sflag:$0x1] =	stream.linear.gather [hbm4b:s4+s2], $0x6000, $0x38;
	[tilespmem:$0xA180] =	vst v63  }
0x20: {  	_ =	swait.ge [sflag:s8], $0x6000  }
0x21: {  	[sflag:s8] =	ssyncset.done $0x0  }
0x22: {  	[sflag:s8] =	ssyncadd.s32 $0xFFFFA000  }
0x23: {  	[tilespmem:s10], [sflag:$0x1] =	stream.linear.gather [hbm4b:s5+s2], $0x180, $0x38;
	[tilespmem:$0xA180] =	vst v63  }
0x24: {  	_ =	swait.ge [sflag:s8], $0x180  }
0x25: {  	s13 =	simm.s32 $0x71B0;
	[sflag:s8] =	ssyncset.done $0x0  }
0x26: {  	s14 =	simm.s32 $0x0;
	s15 =	simm.s32 $0x0;
	[sflag:s8] =	ssyncadd.s32 $0xFFFFFE80  }
.LBB2_2:
0x27: {  	v9 =	vor.u32 s15, v0;
	_ =	sdelay $0x4  }
0x28: {  	v9 =	vld.idx.msk [tilespmem:v9+s2+$0x0], $0xffff;
	_ =	sdelay $0x4  }
0x29: {  	v9 =	vmul.u32 $0x3, v9  }
0x2a: {  	v10 =	vadd.s32 s14, v1  }
0x2b: {  	v9 =	vadd.s32 v1, v9;
	_ =	sdelay $0x3  }
0x2c: {  	v11 =	vld.idx.msk [tilespmem:v10+s10+$0x0], $0xffff  }
0x2d: {  	v9 =	vld.idx.msk [tilespmem:v9+s9+$0x0], $0xffff;
	_ =	sdelay $0x2  }
0x2e: {  	v12 =	vor.u32 s15, v2;
	_ =	sdelay $0x1  }
0x2f: {  	v9 =	vsub.f32 v9, v11;
	_ =	sdelay $0x1  }
0x30: {  	[tilespmem:s13+$0xFFFFFFD0] =	vst v9  }
0x31: {  	v9 =	vld.idx.msk [tilespmem:v12+s2+$0x0], $0xffff;
	_ =	sdelay $0x4  }
0x32: {  	v9 =	vmul.u32 $0x3, v9  }
0x33: {  	v11 =	vadd.s32 s14, v3  }
0x34: {  	v9 =	vadd.s32 v3, v9;
	_ =	sdelay $0x3  }
0x35: {  	v60 =	vld.idx.msk [tilespmem:v11+s10+$0x0], $0xffff  }
0x36: {  	v9 =	vld.idx.msk [tilespmem:v9+s9+$0x0], $0xffff;
	_ =	sdelay $0x2  }
0x37: {  	v13 =	vor.u32 s15, v4;
	_ =	sdelay $0x1  }
0x38: {  	v9 =	vsub.f32 v9, v60;
	_ =	sdelay $0x1  }
0x39: {  	[tilespmem:s13+$0xFFFFFFE0] =	vst v9  }
0x3a: {  	v9 =	vld.idx.msk [tilespmem:v13+s2+$0x0], $0xffff;
	_ =	sdelay $0x4  }
0x3b: {  	v9 =	vmul.u32 $0x3, v9  }
0x3c: {  	v61 =	vadd.s32 s14, v5  }
0x3d: {  	v9 =	vadd.s32 v5, v9;
	_ =	sdelay $0x3  }
0x3e: {  	v62 =	vld.idx.msk [tilespmem:v61+s10+$0x0], $0xffff  }
0x3f: {  	v9 =	vld.idx.msk [tilespmem:v9+s9+$0x0], $0xffff;
	_ =	sdelay $0x2  }
0x40: {  	v14 =	vor.u32 s15, v6;
	_ =	sdelay $0x1  }
0x41: {  	v9 =	vsub.f32 v9, v62;
	_ =	sdelay $0x1  }
0x42: {  	[tilespmem:s13+$0xFFFFFFF0] =	vst v9  }
0x43: {  	v9 =	vld.idx.msk [tilespmem:v14+s2+$0x0], $0xffff;
	_ =	sdelay $0x4  }
0x44: {  	v9 =	vmul.u32 $0x3, v9;
	_ =	sdelay $0x1  }
0x45: {  	v9 =	vadd.s32 v1, v9;
	_ =	sdelay $0x3  }
0x46: {  	v10 =	vld.idx.msk [tilespmem:v10+s10+$0x0], $0xffff  }
0x47: {  	v9 =	vld.idx.msk [tilespmem:v9+s9+$0x0], $0xffff;
	_ =	sdelay $0x2  }
0x48: {  	v63 =	vor.u32 s15, v7;
	_ =	sdelay $0x1  }
0x49: {  	v9 =	vsub.f32 v9, v10;
	_ =	sdelay $0x1  }
0x4a: {  	[tilespmem:s13+$0x0] =	vst v9  }
0x4b: {  	v9 =	vld.idx.msk [tilespmem:v63+s2+$0x0], $0xffff;
	_ =	sdelay $0x4  }
0x4c: {  	v9 =	vmul.u32 $0x3, v9;
	_ =	sdelay $0x1  }
0x4d: {  	v9 =	vadd.s32 v3, v9;
	_ =	sdelay $0x3  }
0x4e: {  	v10 =	vld.idx.msk [tilespmem:v11+s10+$0x0], $0xffff  }
0x4f: {  	v9 =	vld.idx.msk [tilespmem:v9+s9+$0x0], $0xffff;
	_ =	sdelay $0x2  }
0x50: {  	v11 =	vor.u32 s15, v8;
	_ =	sdelay $0x1  }
0x51: {  	v9 =	vsub.f32 v9, v10;
	_ =	sdelay $0x1  }
0x52: {  	[tilespmem:s13+$0x10] =	vst v9  }
0x53: {  	v9 =	vld.idx.msk [tilespmem:v11+s2+$0x0], $0xffff;
	_ =	sdelay $0x4  }
0x54: {  	v9 =	vmul.u32 $0x3, v9;
	_ =	sdelay $0x1  }
0x55: {  	v9 =	vadd.s32 v5, v9;
	_ =	sdelay $0x3  }
0x56: {  	v10 =	vld.idx.msk [tilespmem:v61+s10+$0x0], $0xffff  }
0x57: {  	v9 =	vld.idx.msk [tilespmem:v9+s9+$0x0], $0xffff;
	_ =	sdelay $0x1  }
0x58: {  	p0 =	sne.s32 s15, $0xFE0  }
.Ltmp0:
0x59: {  	_ = 	snop;
	(pc) =	sbr.rel @p0 .LBB2_2-.Ltmp0, $3  }
0x5a: {  	_ = 	snop  }
0x5b: {  	v9 =	vsub.f32 v9, v10;
	_ =	sdelay $0x1  }
0x5c: {  	s14 =	sadd.s32 $0x3, s14;
	s15 =	sadd.s32 $0x20, s15;
	[tilespmem:s13+$0x20] =	vst v9;
	s13 =	sadd.s32 $0x60, s13  }
0x5d: {  	s12 =	sadd.s32 $0x1, s12  }
0x5e: {  	p0 =	sne.s32 s12, s7  }
.Ltmp1:
0x5f: {  	_ = 	snop;
	(pc) =	sbr.rel @p0 .LBB2_1-.Ltmp1, $4  }
0x60: {  	[hbm4b:s6+s2] =	stream.linear.scatter [tilespmem:s11], [sflag:$0x1], $0x3000, $0x38;
	[tilespmem:$0xA180] =	vst v63  }
0x61: {  	_ =	swait.ge [sflag:s8], $0x3000  }
0x62: {  	[sflag:s8] =	ssyncset.done $0x0  }
0x63: {  	[sflag:s8] =	ssyncadd.s32 $0xFFFFD000  }
0x64: {  	_ =	sfence.sel $0x180000  }
0x65: {  	[bflag:$0x0] =	sbarrier.arrive $0xFFFF  }
0x66: {  	p0 =	sne.s32 s0, $0x0;
	_ =	strace $0x90000047  }
0x67: {  	s0 =	sadd.s32 @!p0 $0x100000, s1;
	[bflag:$0x2] =	sbarrier.arrive $0xFFFF  }
0x68: {  	[sflag:s0] =	ssyncadd.tile.s32 @!p0 $0x1;
	_ =	shalt  }
.Lfunc_end2:
_tile_overlayer_lowered:
.L_overlay_start_2:
0x69: {  	(tag) =	ssettag $0x2  }
0x6a: {  	s0 =	rddreg [dreg:$0x0];
	s2 =	stileid.u32  }
0x6b: {  	s1 =	rddreg [dreg:$0x1];
	p0 =	sne.s32 s2, $0x0  }
0x6c: {  	s3 =	rddreg [dreg:$0x2];
	[bflag:$0x3] =	sbarrier.arrive $0xFFFF;
	s2 =	simm.s32 @!p0 $0x1C01  }
0x6d: {  	[timem:s3], [sflag:s2] =	dma.local @!p0 [hbm:s0], s1  }
0x6e: {  	s0 =	simm.s32 @!p0 $0x1  }
0x6f: {  	_ =	swait.ge @!p0 [sflag:s0], s1  }
0x70: {  	s1 =	ssub.s32 @!p0 $0x0, s1;
	[sflag:s0] =	ssyncset.done @!p0 $0x0  }
0x71: {  	[sflag:s0] =	ssyncadd.s32 @!p0 s1  }
0x72: {  	[bflag:$0x3] =	sbarrier.arrive $0xFFFF  }
0x73: {  	_ =	shalt  }

</sc_bundles>
